<compile_context>
chip_gen: v7x
topology: tpu7x:2x2x1
jax: 0.10.2.dev20260603
libtpu: 0.0.44.dev20260713+nightly
codegen_flags: <defaults>
</compile_context>

<pallas_src>
import functools

import jax
import jax.numpy as jnp
from jax import lax
from jax.experimental import pallas as pl
from jax.experimental.pallas import tpu as pltpu
from jax.experimental.pallas import tpu_sc as plsc

N = 1600
E = 102400
NUM_TILES = 32
EDGES_PER_TILE = E // NUM_TILES

K_NEIGH = -1640531535
K_SELF = 40503
K_AGG = -2048144777
K_ADD = -1028477379
SIGN = -2147483648


def _tc_init_body(x_ref, colors_ref, h_ref):
    x = x_ref[...]
    rowmax = jnp.max(x, axis=1, keepdims=True)
    jidx = lax.broadcasted_iota(jnp.int32, x.shape, 1)
    colors = jnp.min(jnp.where(x == rowmax, jidx, jnp.int32(1 << 30)),
                     axis=1)
    colors_ref[...] = colors
    h_ref[...] = (colors + 1) * jnp.int32(K_NEIGH)


def _tc_init(x):
    return pl.pallas_call(
        _tc_init_body,
        out_shape=(
            jax.ShapeDtypeStruct((N,), jnp.int32),
            jax.ShapeDtypeStruct((N,), jnp.int32),
        ),
    )(x)


def _sc_conv_body(h_hbm, src_hbm, dst_hbm, out_hbm,
                  h_v, src_v, dst_v, agg_v, sem_h, sem_s, sem_d):
    nc = 2
    wid = lax.axis_index("s") * jnp.int32(nc) + lax.axis_index("c")
    base = wid * jnp.int32(EDGES_PER_TILE)
    cp_h = pltpu.async_copy(h_hbm, h_v, sem_h)
    cp_d = pltpu.async_copy(
        dst_hbm.at[pl.ds(base, EDGES_PER_TILE)], dst_v, sem_d)
    cp_s = pltpu.async_copy(
        src_hbm.at[pl.ds(base, EDGES_PER_TILE)], src_v, sem_s)

    def zero_body(i, carry):
        agg_v[pl.ds(i * jnp.int32(16), 16)] = jnp.zeros((16,), jnp.int32)
        return carry

    lax.fori_loop(jnp.int32(0), jnp.int32(N // 16), zero_body, jnp.int32(0),
                  unroll=True)
    cp_h.wait()
    cp_d.wait()
    cp_s.wait()

    UNROLL = 8

    def edge_body(k, carry):
        base_k = k * jnp.int32(16 * UNROLL)
        offs = [base_k + jnp.int32(u * 16) for u in range(UNROLL)]
        s_idx = [src_v[pl.ds(o, 16)] for o in offs]
        hs = [plsc.load_gather(h_v, [si]) for si in s_idx]
        d_idx = [dst_v[pl.ds(o, 16)] for o in offs]
        for u in range(UNROLL):
            plsc.addupdate_scatter(agg_v, [d_idx[u]], hs[u])
        return carry

    lax.fori_loop(jnp.int32(0), jnp.int32(EDGES_PER_TILE // (16 * UNROLL)),
                  edge_body, jnp.int32(0))
    pltpu.sync_copy(agg_v, out_hbm.at[wid])


def _sc_conv(h, src, dst):
    mesh = plsc.VectorSubcoreMesh(core_axis_name="c", subcore_axis_name="s")
    return pl.kernel(
        _sc_conv_body,
        mesh=mesh,
        out_type=jax.ShapeDtypeStruct((NUM_TILES, N), jnp.int32),
        compiler_params=pltpu.CompilerParams(needs_layout_passes=False),
        scratch_types=[
            pltpu.VMEM((N,), jnp.int32),
            pltpu.VMEM((EDGES_PER_TILE,), jnp.int32),
            pltpu.VMEM((EDGES_PER_TILE,), jnp.int32),
            pltpu.VMEM((N,), jnp.int32),
            pltpu.SemaphoreType.DMA,
            pltpu.SemaphoreType.DMA,
            pltpu.SemaphoreType.DMA,
        ],
    )(h, src, dst)


def _tc_relabel_body(part_ref, colors_ref, c_ref, h_ref):
    agg_row = jnp.sum(part_ref[...], axis=0, keepdims=True, dtype=jnp.int32)
    colors_row = colors_ref[...].reshape(1, N)
    comb_row = (colors_row * jnp.int32(K_SELF) + agg_row * jnp.int32(K_AGG)
                + jnp.int32(K_ADD))
    comb_row = comb_row ^ lax.shift_right_logical(comb_row, jnp.int32(15))
    key_row = comb_row ^ jnp.int32(SIGN)
    key_col = jnp.transpose(key_row, (1, 0))

    kk = lax.broadcasted_iota(jnp.int32, (N, N), 0)
    jj = lax.broadcasted_iota(jnp.int32, (N, N), 1)
    dup = jnp.sum((key_col == key_row) & (kk < jj),
                  axis=0, keepdims=True, dtype=jnp.int32)
    first_row = jnp.where(dup == 0, jnp.int32(1), jnp.int32(0))
    first_col = jnp.transpose(first_row, (1, 0))
    m2 = (key_col < key_row) & (first_col > 0)
    c = jnp.sum(m2, axis=0, dtype=jnp.int32)
    c_ref[...] = c
    h_ref[...] = (c + 1) * jnp.int32(K_NEIGH)


def _tc_relabel(part, colors):
    return pl.pallas_call(
        _tc_relabel_body,
        out_shape=(
            jax.ShapeDtypeStruct((N,), jnp.int32),
            jax.ShapeDtypeStruct((N,), jnp.int32),
        ),
    )(part, colors)


def kernel(x, edge_index):
    ei = edge_index.astype(jnp.int32)
    dst = ei[0]
    src = ei[1]
    colors0, h0 = _tc_init(x)
    part1 = _sc_conv(h0, src, dst)
    c1, h1 = _tc_relabel(part1, colors0)
    part2 = _sc_conv(h1, src, dst)
    c2, _ = _tc_relabel(part2, c1)
    return c2.astype(jnp.int64)

# --- scband reference (transcript-rebuilt; emitter-appended) ---
"""Pipeline reference for scband-wlencoder-54546084659930 (READ-ONLY COPY).

The authoritative reference and input builder live on the scoring server;
editing this copy changes nothing except your own understanding.
"""

import jax
jax.config.update('jax_enable_x64', True)
import jax.numpy as jnp
import numpy as np

N = 1600
E = 102400


def setup_inputs(seed: int = 0) -> dict:
    key = jax.random.key(seed)
    k1, k2 = jax.random.split(key)
    x = jax.random.uniform(k1, (N, 64), dtype=jnp.float32)
    edge_index = jax.random.randint(k2, (2, E), 0, N, dtype=jnp.int64)
    return {"x": x, "edge_index": edge_index}


def _wl_conv(colors, edge_index):
    # WLConv: new color = relabeled hash of (own color, multiset of neighbor colors).
    # torch_geometric uses a python dict over hash(tuple(node, sorted(neighbors)));
    # here we use a multiset-invariant integer hash (sum of hashed neighbor colors)
    # followed by jnp.unique relabeling to consecutive ids, which is the same
    # color-refinement computation expressed with SparseCore-friendly primitives.
    dst = edge_index[0]
    src = edge_index[1]
    h = (colors[src].astype(jnp.uint32) + jnp.uint32(1)) * jnp.uint32(2654435761)
    agg = jnp.zeros((N,), dtype=jnp.uint32).at[dst].add(h)  # scatter-add over edges
    combined = (colors.astype(jnp.uint32) * jnp.uint32(40503)
                + agg * jnp.uint32(2246822519)
                + jnp.uint32(3266489917))
    combined = combined ^ (combined >> jnp.uint32(15))
    _, inv = jnp.unique(combined, return_inverse=True, size=N, fill_value=jnp.uint32(0))
    return inv.reshape(N).astype(jnp.int64)


def reference(x, edge_index):
    # WLConv argmaxes multi-dim (one-hot) inputs to integer colors
    colors = jnp.argmax(x, axis=-1).astype(jnp.int64)
    c1 = _wl_conv(colors, edge_index)
    c1 = jnp.maximum(c1, 0)  # F.relu (identity on non-negative color ids)
    c2 = _wl_conv(c1, edge_index)
    return c2.reshape(1600)

if __name__ == "__main__":
    import jax
    _d = setup_inputs()
    print(jax.jit(kernel)(*tuple(_d.values())))

</pallas_src>

<mosaic_0001>
#map = affine_map<(d0, d1) -> (0)>
#map1 = affine_map<(d0, d1) -> (0, 0)>
module attributes {stable_mosaic.version = 14 : i64} {
  func.func @_sc_conv_body(%arg0: i32, %arg1: i32, %arg2: memref<1600xi32, #tpu.memory_space<hbm>>, %arg3: memref<102400xi32, #tpu.memory_space<hbm>>, %arg4: memref<102400xi32, #tpu.memory_space<hbm>>, %arg5: memref<32x1600xi32, #tpu.memory_space<hbm>>, %arg6: memref<1600xi32, #tpu.memory_space<vmem>>, %arg7: memref<3200xi32, #tpu.memory_space<vmem>>, %arg8: memref<3200xi32, #tpu.memory_space<vmem>>, %arg9: memref<1600xi32, #tpu.memory_space<vmem>>, %arg10: memref<!tpu.dma_semaphore, #tpu.memory_space<semaphore_mem>>, %arg11: memref<!tpu.dma_semaphore, #tpu.memory_space<semaphore_mem>>, %arg12: memref<!tpu.dma_semaphore, #tpu.memory_space<semaphore_mem>>) attributes {dimension_semantics = [#tpu.dimension_semantics<core_parallel>, #tpu.dimension_semantics<subcore_parallel>], iteration_bounds = array<i64: 2, 16>, scalar_prefetch = 0 : i64, scratch_operands = 7 : i64, tpu.core_type = #tpu.core_type<sc_vector_subcore>, window_params = [{transform_indices = #map}, {transform_indices = #map}, {transform_indices = #map}, {transform_indices = #map1}]} {
    %mul3A = arith.constant 2 : i32
    %mul3A_0 = arith.muli %arg1, %mul3A : i32
    %add3A = arith.addi %mul3A_0, %arg0 : i32
    %mul3A_1 = arith.constant 3200 : i32
    %mul3A_2 = arith.muli %add3A, %mul3A_1 : i32
    tpu.enqueue_dma source(%arg2 : memref<1600xi32, #tpu.memory_space<hbm>>) target(%arg6 : memref<1600xi32, #tpu.memory_space<vmem>>) target_semaphore(%arg10 : memref<!tpu.dma_semaphore, #tpu.memory_space<semaphore_mem>>)
    %dma_start3A = tpu.memref_slice %arg4[%mul3A_2] : memref<102400xi32, #tpu.memory_space<hbm>> -> memref<3200xi32, #tpu.memory_space<hbm>>
    %dma_start3A_3 = tpu.memref_slice %arg4[%mul3A_2] : memref<102400xi32, #tpu.memory_space<hbm>> -> memref<3200xi32, #tpu.memory_space<hbm>>
    tpu.enqueue_dma source(%dma_start3A_3 : memref<3200xi32, #tpu.memory_space<hbm>>) target(%arg8 : memref<3200xi32, #tpu.memory_space<vmem>>) target_semaphore(%arg12 : memref<!tpu.dma_semaphore, #tpu.memory_space<semaphore_mem>>)
    %dma_start3A_4 = tpu.memref_slice %arg3[%mul3A_2] : memref<102400xi32, #tpu.memory_space<hbm>> -> memref<3200xi32, #tpu.memory_space<hbm>>
    %dma_start3A_5 = tpu.memref_slice %arg3[%mul3A_2] : memref<102400xi32, #tpu.memory_space<hbm>> -> memref<3200xi32, #tpu.memory_space<hbm>>
    tpu.enqueue_dma source(%dma_start3A_5 : memref<3200xi32, #tpu.memory_space<hbm>>) target(%arg7 : memref<3200xi32, #tpu.memory_space<vmem>>) target_semaphore(%arg11 : memref<!tpu.dma_semaphore, #tpu.memory_space<semaphore_mem>>)
    %while3A = arith.constant 0 : i32
    %while3A_6 = arith.constant 0 : i32
    %while3A_7 = arith.constant 100 : i32
    %while3A_8 = arith.subi %while3A_7, %while3A_6 : i32
    %while3A_9 = arith.addi %while3A_6, %while3A_8 : i32
    %while3A_10 = arith.constant 1 : i32
    %while3A_11 = arith.divsi %while3A_8, %while3A_10 : i32
    %while3A_12 = arith.muli %while3A_11, %while3A_10 : i32
    %while3A_13 = arith.addi %while3A_6, %while3A_12 : i32
    %while3A_14 = arith.constant 1 : i32
    scf.for %while3A_30 = %while3A_6 to %while3A_13 step %while3A_14  : i32 {
      %broadcast_in_dim3A = arith.constant 0 : i32
      %broadcast_in_dim3A_31 = vector.broadcast %broadcast_in_dim3A : i32 to vector<16xi32>
      %mul3A_32 = arith.constant 16 : i32
      %mul3A_33 = arith.muli %while3A_30, %mul3A_32 : i32
      %swap3A = arith.index_cast %mul3A_33 : i32 to index
      %swap3A_34 = tpu.vector_load %arg9[%swap3A] {strides = array<i32>} : memref<1600xi32, #tpu.memory_space<vmem>>, vector<16xi32>,
      tpu.vector_store %arg9[%swap3A], %broadcast_in_dim3A_31 {strides = array<i32>} : memref<1600xi32, #tpu.memory_space<vmem>>, vector<16xi32>,
    }
    %while3A_15 = arith.constant 1 : i32
    scf.for %while3A_30 = %while3A_13 to %while3A_9 step %while3A_15  : i32 {
      %broadcast_in_dim3A = arith.constant 0 : i32
      %broadcast_in_dim3A_31 = vector.broadcast %broadcast_in_dim3A : i32 to vector<16xi32>
      %mul3A_32 = arith.constant 16 : i32
      %mul3A_33 = arith.muli %while3A_30, %mul3A_32 : i32
      %swap3A = arith.index_cast %mul3A_33 : i32 to index
      %swap3A_34 = tpu.vector_load %arg9[%swap3A] {strides = array<i32>} : memref<1600xi32, #tpu.memory_space<vmem>>, vector<16xi32>,
      tpu.vector_store %arg9[%swap3A], %broadcast_in_dim3A_31 {strides = array<i32>} : memref<1600xi32, #tpu.memory_space<vmem>>, vector<16xi32>,
    }
    tpu.wait_dma2 semaphore(%arg10 : memref<!tpu.dma_semaphore, #tpu.memory_space<semaphore_mem>>) src(%arg2 : memref<1600xi32, #tpu.memory_space<hbm>>) dst(%arg6 : memref<1600xi32, #tpu.memory_space<vmem>>)
    %dma_wait3A = tpu.memref_slice %arg4[%mul3A_2] : memref<102400xi32, #tpu.memory_space<hbm>> -> memref<3200xi32, #tpu.memory_space<hbm>>
    %dma_wait3A_16 = tpu.memref_slice %arg4[%mul3A_2] : memref<102400xi32, #tpu.memory_space<hbm>> -> memref<3200xi32, #tpu.memory_space<hbm>>
    tpu.wait_dma2 semaphore(%arg12 : memref<!tpu.dma_semaphore, #tpu.memory_space<semaphore_mem>>) src(%dma_wait3A_16 : memref<3200xi32, #tpu.memory_space<hbm>>) dst(%arg8 : memref<3200xi32, #tpu.memory_space<vmem>>)
    %dma_wait3A_17 = tpu.memref_slice %arg3[%mul3A_2] : memref<102400xi32, #tpu.memory_space<hbm>> -> memref<3200xi32, #tpu.memory_space<hbm>>
    %dma_wait3A_18 = tpu.memref_slice %arg3[%mul3A_2] : memref<102400xi32, #tpu.memory_space<hbm>> -> memref<3200xi32, #tpu.memory_space<hbm>>
    tpu.wait_dma2 semaphore(%arg11 : memref<!tpu.dma_semaphore, #tpu.memory_space<semaphore_mem>>) src(%dma_wait3A_18 : memref<3200xi32, #tpu.memory_space<hbm>>) dst(%arg7 : memref<3200xi32, #tpu.memory_space<vmem>>)
    %while3A_19 = arith.constant 0 : i32
    %while3A_20 = arith.constant 0 : i32
    %while3A_21 = arith.constant 25 : i32
    %while3A_22 = arith.subi %while3A_21, %while3A_20 : i32
    %while3A_23 = arith.addi %while3A_20, %while3A_22 : i32
    %while3A_24 = arith.constant 1 : i32
    %while3A_25 = arith.divsi %while3A_22, %while3A_24 : i32
    %while3A_26 = arith.muli %while3A_25, %while3A_24 : i32
    %while3A_27 = arith.addi %while3A_20, %while3A_26 : i32
    %while3A_28 = arith.constant 1 : i32
    scf.for %while3A_30 = %while3A_20 to %while3A_27 step %while3A_28  : i32 {
      %mul3A_31 = arith.constant 128 : i32
      %mul3A_32 = arith.muli %while3A_30, %mul3A_31 : i32
      %add3A_33 = arith.constant 0 : i32
      %add3A_34 = arith.addi %mul3A_32, %add3A_33 : i32
      %add3A_35 = arith.constant 16 : i32
      %add3A_36 = arith.addi %mul3A_32, %add3A_35 : i32
      %add3A_37 = arith.constant 32 : i32
      %add3A_38 = arith.addi %mul3A_32, %add3A_37 : i32
      %add3A_39 = arith.constant 48 : i32
      %add3A_40 = arith.addi %mul3A_32, %add3A_39 : i32
      %add3A_41 = arith.constant 64 : i32
      %add3A_42 = arith.addi %mul3A_32, %add3A_41 : i32
      %add3A_43 = arith.constant 80 : i32
      %add3A_44 = arith.addi %mul3A_32, %add3A_43 : i32
      %add3A_45 = arith.constant 96 : i32
      %add3A_46 = arith.addi %mul3A_32, %add3A_45 : i32
      %add3A_47 = arith.constant 112 : i32
      %add3A_48 = arith.addi %mul3A_32, %add3A_47 : i32
      %get3A = arith.index_cast %add3A_34 : i32 to index
      %get3A_49 = tpu.vector_load %arg7[%get3A] {strides = array<i32>} : memref<3200xi32, #tpu.memory_space<vmem>>, vector<16xi32>,
      %get3A_50 = arith.index_cast %add3A_36 : i32 to index
      %get3A_51 = tpu.vector_load %arg7[%get3A_50] {strides = array<i32>} : memref<3200xi32, #tpu.memory_space<vmem>>, vector<16xi32>,
      %get3A_52 = arith.index_cast %add3A_38 : i32 to index
      %get3A_53 = tpu.vector_load %arg7[%get3A_52] {strides = array<i32>} : memref<3200xi32, #tpu.memory_space<vmem>>, vector<16xi32>,
      %get3A_54 = arith.index_cast %add3A_40 : i32 to index
      %get3A_55 = tpu.vector_load %arg7[%get3A_54] {strides = array<i32>} : memref<3200xi32, #tpu.memory_space<vmem>>, vector<16xi32>,
      %get3A_56 = arith.index_cast %add3A_42 : i32 to index
      %get3A_57 = tpu.vector_load %arg7[%get3A_56] {strides = array<i32>} : memref<3200xi32, #tpu.memory_space<vmem>>, vector<16xi32>,
      %get3A_58 = arith.index_cast %add3A_44 : i32 to index
      %get3A_59 = tpu.vector_load %arg7[%get3A_58] {strides = array<i32>} : memref<3200xi32, #tpu.memory_space<vmem>>, vector<16xi32>,
      %get3A_60 = arith.index_cast %add3A_46 : i32 to index
      %get3A_61 = tpu.vector_load %arg7[%get3A_60] {strides = array<i32>} : memref<3200xi32, #tpu.memory_space<vmem>>, vector<16xi32>,
      %get3A_62 = arith.index_cast %add3A_48 : i32 to index
      %get3A_63 = tpu.vector_load %arg7[%get3A_62] {strides = array<i32>} : memref<3200xi32, #tpu.memory_space<vmem>>, vector<16xi32>,
      %gather3A = tpu.vector_load_idx %arg6[%get3A_49] : memref<1600xi32, #tpu.memory_space<vmem>>[vector<16xi32>], vector<16xi32>,
      %gather3A_64 = tpu.vector_load_idx %arg6[%get3A_51] : memref<1600xi32, #tpu.memory_space<vmem>>[vector<16xi32>], vector<16xi32>,
      %gather3A_65 = tpu.vector_load_idx %arg6[%get3A_53] : memref<1600xi32, #tpu.memory_space<vmem>>[vector<16xi32>], vector<16xi32>,
      %gather3A_66 = tpu.vector_load_idx %arg6[%get3A_55] : memref<1600xi32, #tpu.memory_space<vmem>>[vector<16xi32>], vector<16xi32>,
      %gather3A_67 = tpu.vector_load_idx %arg6[%get3A_57] : memref<1600xi32, #tpu.memory_space<vmem>>[vector<16xi32>], vector<16xi32>,
      %gather3A_68 = tpu.vector_load_idx %arg6[%get3A_59] : memref<1600xi32, #tpu.memory_space<vmem>>[vector<16xi32>], vector<16xi32>,
      %gather3A_69 = tpu.vector_load_idx %arg6[%get3A_61] : memref<1600xi32, #tpu.memory_space<vmem>>[vector<16xi32>], vector<16xi32>,
      %gather3A_70 = tpu.vector_load_idx %arg6[%get3A_63] : memref<1600xi32, #tpu.memory_space<vmem>>[vector<16xi32>], vector<16xi32>,
      %get3A_71 = arith.index_cast %add3A_34 : i32 to index
      %get3A_72 = tpu.vector_load %arg8[%get3A_71] {strides = array<i32>} : memref<3200xi32, #tpu.memory_space<vmem>>, vector<16xi32>,
      %get3A_73 = arith.index_cast %add3A_36 : i32 to index
      %get3A_74 = tpu.vector_load %arg8[%get3A_73] {strides = array<i32>} : memref<3200xi32, #tpu.memory_space<vmem>>, vector<16xi32>,
      %get3A_75 = arith.index_cast %add3A_38 : i32 to index
      %get3A_76 = tpu.vector_load %arg8[%get3A_75] {strides = array<i32>} : memref<3200xi32, #tpu.memory_space<vmem>>, vector<16xi32>,
      %get3A_77 = arith.index_cast %add3A_40 : i32 to index
      %get3A_78 = tpu.vector_load %arg8[%get3A_77] {strides = array<i32>} : memref<3200xi32, #tpu.memory_space<vmem>>, vector<16xi32>,
      %get3A_79 = arith.index_cast %add3A_42 : i32 to index
      %get3A_80 = tpu.vector_load %arg8[%get3A_79] {strides = array<i32>} : memref<3200xi32, #tpu.memory_space<vmem>>, vector<16xi32>,
      %get3A_81 = arith.index_cast %add3A_44 : i32 to index
      %get3A_82 = tpu.vector_load %arg8[%get3A_81] {strides = array<i32>} : memref<3200xi32, #tpu.memory_space<vmem>>, vector<16xi32>,
      %get3A_83 = arith.index_cast %add3A_46 : i32 to index
      %get3A_84 = tpu.vector_load %arg8[%get3A_83] {strides = array<i32>} : memref<3200xi32, #tpu.memory_space<vmem>>, vector<16xi32>,
      %get3A_85 = arith.index_cast %add3A_48 : i32 to index
      %get3A_86 = tpu.vector_load %arg8[%get3A_85] {strides = array<i32>} : memref<3200xi32, #tpu.memory_space<vmem>>, vector<16xi32>,
      tpu.vector_store_idx %arg9[%get3A_72], %gather3A {add = true} : memref<1600xi32, #tpu.memory_space<vmem>>[vector<16xi32>], vector<16xi32>,
      tpu.vector_store_idx %arg9[%get3A_74], %gather3A_64 {add = true} : memref<1600xi32, #tpu.memory_space<vmem>>[vector<16xi32>], vector<16xi32>,
      tpu.vector_store_idx %arg9[%get3A_76], %gather3A_65 {add = true} : memref<1600xi32, #tpu.memory_space<vmem>>[vector<16xi32>], vector<16xi32>,
      tpu.vector_store_idx %arg9[%get3A_78], %gather3A_66 {add = true} : memref<1600xi32, #tpu.memory_space<vmem>>[vector<16xi32>], vector<16xi32>,
      tpu.vector_store_idx %arg9[%get3A_80], %gather3A_67 {add = true} : memref<1600xi32, #tpu.memory_space<vmem>>[vector<16xi32>], vector<16xi32>,
      tpu.vector_store_idx %arg9[%get3A_82], %gather3A_68 {add = true} : memref<1600xi32, #tpu.memory_space<vmem>>[vector<16xi32>], vector<16xi32>,
      tpu.vector_store_idx %arg9[%get3A_84], %gather3A_69 {add = true} : memref<1600xi32, #tpu.memory_space<vmem>>[vector<16xi32>], vector<16xi32>,
      tpu.vector_store_idx %arg9[%get3A_86], %gather3A_70 {add = true} : memref<1600xi32, #tpu.memory_space<vmem>>[vector<16xi32>], vector<16xi32>,
    }
    %while3A_29 = arith.constant 1 : i32
    scf.for %while3A_30 = %while3A_27 to %while3A_23 step %while3A_29  : i32 {
      %mul3A_31 = arith.constant 128 : i32
      %mul3A_32 = arith.muli %while3A_30, %mul3A_31 : i32
      %add3A_33 = arith.constant 0 : i32
      %add3A_34 = arith.addi %mul3A_32, %add3A_33 : i32
      %add3A_35 = arith.constant 16 : i32
      %add3A_36 = arith.addi %mul3A_32, %add3A_35 : i32
      %add3A_37 = arith.constant 32 : i32
      %add3A_38 = arith.addi %mul3A_32, %add3A_37 : i32
      %add3A_39 = arith.constant 48 : i32
      %add3A_40 = arith.addi %mul3A_32, %add3A_39 : i32
      %add3A_41 = arith.constant 64 : i32
      %add3A_42 = arith.addi %mul3A_32, %add3A_41 : i32
      %add3A_43 = arith.constant 80 : i32
      %add3A_44 = arith.addi %mul3A_32, %add3A_43 : i32
      %add3A_45 = arith.constant 96 : i32
      %add3A_46 = arith.addi %mul3A_32, %add3A_45 : i32
      %add3A_47 = arith.constant 112 : i32
      %add3A_48 = arith.addi %mul3A_32, %add3A_47 : i32
      %get3A = arith.index_cast %add3A_34 : i32 to index
      %get3A_49 = tpu.vector_load %arg7[%get3A] {strides = array<i32>} : memref<3200xi32, #tpu.memory_space<vmem>>, vector<16xi32>,
      %get3A_50 = arith.index_cast %add3A_36 : i32 to index
      %get3A_51 = tpu.vector_load %arg7[%get3A_50] {strides = array<i32>} : memref<3200xi32, #tpu.memory_space<vmem>>, vector<16xi32>,
      %get3A_52 = arith.index_cast %add3A_38 : i32 to index
      %get3A_53 = tpu.vector_load %arg7[%get3A_52] {strides = array<i32>} : memref<3200xi32, #tpu.memory_space<vmem>>, vector<16xi32>,
      %get3A_54 = arith.index_cast %add3A_40 : i32 to index
      %get3A_55 = tpu.vector_load %arg7[%get3A_54] {strides = array<i32>} : memref<3200xi32, #tpu.memory_space<vmem>>, vector<16xi32>,
      %get3A_56 = arith.index_cast %add3A_42 : i32 to index
      %get3A_57 = tpu.vector_load %arg7[%get3A_56] {strides = array<i32>} : memref<3200xi32, #tpu.memory_space<vmem>>, vector<16xi32>,
      %get3A_58 = arith.index_cast %add3A_44 : i32 to index
      %get3A_59 = tpu.vector_load %arg7[%get3A_58] {strides = array<i32>} : memref<3200xi32, #tpu.memory_space<vmem>>, vector<16xi32>,
      %get3A_60 = arith.index_cast %add3A_46 : i32 to index
      %get3A_61 = tpu.vector_load %arg7[%get3A_60] {strides = array<i32>} : memref<3200xi32, #tpu.memory_space<vmem>>, vector<16xi32>,
      %get3A_62 = arith.index_cast %add3A_48 : i32 to index
      %get3A_63 = tpu.vector_load %arg7[%get3A_62] {strides = array<i32>} : memref<3200xi32, #tpu.memory_space<vmem>>, vector<16xi32>,
      %gather3A = tpu.vector_load_idx %arg6[%get3A_49] : memref<1600xi32, #tpu.memory_space<vmem>>[vector<16xi32>], vector<16xi32>,
      %gather3A_64 = tpu.vector_load_idx %arg6[%get3A_51] : memref<1600xi32, #tpu.memory_space<vmem>>[vector<16xi32>], vector<16xi32>,
      %gather3A_65 = tpu.vector_load_idx %arg6[%get3A_53] : memref<1600xi32, #tpu.memory_space<vmem>>[vector<16xi32>], vector<16xi32>,
      %gather3A_66 = tpu.vector_load_idx %arg6[%get3A_55] : memref<1600xi32, #tpu.memory_space<vmem>>[vector<16xi32>], vector<16xi32>,
      %gather3A_67 = tpu.vector_load_idx %arg6[%get3A_57] : memref<1600xi32, #tpu.memory_space<vmem>>[vector<16xi32>], vector<16xi32>,
      %gather3A_68 = tpu.vector_load_idx %arg6[%get3A_59] : memref<1600xi32, #tpu.memory_space<vmem>>[vector<16xi32>], vector<16xi32>,
      %gather3A_69 = tpu.vector_load_idx %arg6[%get3A_61] : memref<1600xi32, #tpu.memory_space<vmem>>[vector<16xi32>], vector<16xi32>,
      %gather3A_70 = tpu.vector_load_idx %arg6[%get3A_63] : memref<1600xi32, #tpu.memory_space<vmem>>[vector<16xi32>], vector<16xi32>,
      %get3A_71 = arith.index_cast %add3A_34 : i32 to index
      %get3A_72 = tpu.vector_load %arg8[%get3A_71] {strides = array<i32>} : memref<3200xi32, #tpu.memory_space<vmem>>, vector<16xi32>,
      %get3A_73 = arith.index_cast %add3A_36 : i32 to index
      %get3A_74 = tpu.vector_load %arg8[%get3A_73] {strides = array<i32>} : memref<3200xi32, #tpu.memory_space<vmem>>, vector<16xi32>,
      %get3A_75 = arith.index_cast %add3A_38 : i32 to index
      %get3A_76 = tpu.vector_load %arg8[%get3A_75] {strides = array<i32>} : memref<3200xi32, #tpu.memory_space<vmem>>, vector<16xi32>,
      %get3A_77 = arith.index_cast %add3A_40 : i32 to index
      %get3A_78 = tpu.vector_load %arg8[%get3A_77] {strides = array<i32>} : memref<3200xi32, #tpu.memory_space<vmem>>, vector<16xi32>,
      %get3A_79 = arith.index_cast %add3A_42 : i32 to index
      %get3A_80 = tpu.vector_load %arg8[%get3A_79] {strides = array<i32>} : memref<3200xi32, #tpu.memory_space<vmem>>, vector<16xi32>,
      %get3A_81 = arith.index_cast %add3A_44 : i32 to index
      %get3A_82 = tpu.vector_load %arg8[%get3A_81] {strides = array<i32>} : memref<3200xi32, #tpu.memory_space<vmem>>, vector<16xi32>,
      %get3A_83 = arith.index_cast %add3A_46 : i32 to index
      %get3A_84 = tpu.vector_load %arg8[%get3A_83] {strides = array<i32>} : memref<3200xi32, #tpu.memory_space<vmem>>, vector<16xi32>,
      %get3A_85 = arith.index_cast %add3A_48 : i32 to index
      %get3A_86 = tpu.vector_load %arg8[%get3A_85] {strides = array<i32>} : memref<3200xi32, #tpu.memory_space<vmem>>, vector<16xi32>,
      tpu.vector_store_idx %arg9[%get3A_72], %gather3A {add = true} : memref<1600xi32, #tpu.memory_space<vmem>>[vector<16xi32>], vector<16xi32>,
      tpu.vector_store_idx %arg9[%get3A_74], %gather3A_64 {add = true} : memref<1600xi32, #tpu.memory_space<vmem>>[vector<16xi32>], vector<16xi32>,
      tpu.vector_store_idx %arg9[%get3A_76], %gather3A_65 {add = true} : memref<1600xi32, #tpu.memory_space<vmem>>[vector<16xi32>], vector<16xi32>,
      tpu.vector_store_idx %arg9[%get3A_78], %gather3A_66 {add = true} : memref<1600xi32, #tpu.memory_space<vmem>>[vector<16xi32>], vector<16xi32>,
      tpu.vector_store_idx %arg9[%get3A_80], %gather3A_67 {add = true} : memref<1600xi32, #tpu.memory_space<vmem>>[vector<16xi32>], vector<16xi32>,
      tpu.vector_store_idx %arg9[%get3A_82], %gather3A_68 {add = true} : memref<1600xi32, #tpu.memory_space<vmem>>[vector<16xi32>], vector<16xi32>,
      tpu.vector_store_idx %arg9[%get3A_84], %gather3A_69 {add = true} : memref<1600xi32, #tpu.memory_space<vmem>>[vector<16xi32>], vector<16xi32>,
      tpu.vector_store_idx %arg9[%get3A_86], %gather3A_70 {add = true} : memref<1600xi32, #tpu.memory_space<vmem>>[vector<16xi32>], vector<16xi32>,
    }
    "tpu.region"() ({
      %run_scoped3A = tpu.sem_alloc : memref<!tpu.dma_semaphore, #tpu.memory_space<semaphore_mem>>
      %dma_start3A_30 = arith.constant 0 : i32
      %dma_start3A_31 = tpu.memref_slice %arg5[%add3A, %dma_start3A_30] : memref<32x1600xi32, #tpu.memory_space<hbm>> -> memref<1x1600xi32, #tpu.memory_space<hbm>>
      %dma_start3A_32 = tpu.memref_squeeze %dma_start3A_31 : memref<1x1600xi32, #tpu.memory_space<hbm>> -> memref<1600xi32, #tpu.memory_space<hbm>>
      %dma_start3A_33 = arith.constant 0 : i32
      %dma_start3A_34 = tpu.memref_slice %arg5[%add3A, %dma_start3A_33] : memref<32x1600xi32, #tpu.memory_space<hbm>> -> memref<1x1600xi32, #tpu.memory_space<hbm>>
      %dma_start3A_35 = tpu.memref_squeeze %dma_start3A_34 : memref<1x1600xi32, #tpu.memory_space<hbm>> -> memref<1600xi32, #tpu.memory_space<hbm>>
      tpu.enqueue_dma source(%arg9 : memref<1600xi32, #tpu.memory_space<vmem>>) target(%dma_start3A_35 : memref<1600xi32, #tpu.memory_space<hbm>>) target_semaphore(%run_scoped3A : memref<!tpu.dma_semaphore, #tpu.memory_space<semaphore_mem>>)
      %dma_wait3A_36 = arith.constant 0 : i32
      %dma_wait3A_37 = tpu.memref_slice %arg5[%add3A, %dma_wait3A_36] : memref<32x1600xi32, #tpu.memory_space<hbm>> -> memref<1x1600xi32, #tpu.memory_space<hbm>>
      %dma_wait3A_38 = tpu.memref_squeeze %dma_wait3A_37 : memref<1x1600xi32, #tpu.memory_space<hbm>> -> memref<1600xi32, #tpu.memory_space<hbm>>
      %dma_wait3A_39 = arith.constant 0 : i32
      %dma_wait3A_40 = tpu.memref_slice %arg5[%add3A, %dma_wait3A_39] : memref<32x1600xi32, #tpu.memory_space<hbm>> -> memref<1x1600xi32, #tpu.memory_space<hbm>>
      %dma_wait3A_41 = tpu.memref_squeeze %dma_wait3A_40 : memref<1x1600xi32, #tpu.memory_space<hbm>> -> memref<1600xi32, #tpu.memory_space<hbm>>
      tpu.wait_dma2 semaphore(%run_scoped3A : memref<!tpu.dma_semaphore, #tpu.memory_space<semaphore_mem>>) src(%arg9 : memref<1600xi32, #tpu.memory_space<vmem>>) dst(%dma_wait3A_41 : memref<1600xi32, #tpu.memory_space<hbm>>)
      tpu.yield
    }) : () -> ()
    return
  }
}

#map = affine_map<(d0, d1) -> (0)>
#map1 = affine_map<(d0, d1) -> (0, 0)>
module attributes {stable_mosaic.version = 14 : i64} {
  func.func @_sc_conv_body(%arg0: i32, %arg1: i32, %arg2: memref<1600xi32, #tpu.memory_space<hbm>>, %arg3: memref<102400xi32, #tpu.memory_space<hbm>>, %arg4: memref<102400xi32, #tpu.memory_space<hbm>>, %arg5: memref<32x1600xi32, #tpu.memory_space<hbm>>, %arg6: memref<1600xi32, #tpu.memory_space<vmem>>, %arg7: memref<3200xi32, #tpu.memory_space<vmem>>, %arg8: memref<3200xi32, #tpu.memory_space<vmem>>, %arg9: memref<1600xi32, #tpu.memory_space<vmem>>, %arg10: memref<!tpu.dma_semaphore, #tpu.memory_space<semaphore_mem>>, %arg11: memref<!tpu.dma_semaphore, #tpu.memory_space<semaphore_mem>>, %arg12: memref<!tpu.dma_semaphore, #tpu.memory_space<semaphore_mem>>) attributes {dimension_semantics = [#tpu.dimension_semantics<core_parallel>, #tpu.dimension_semantics<subcore_parallel>], iteration_bounds = array<i64: 2, 16>, scalar_prefetch = 0 : i64, scratch_operands = 7 : i64, tpu.core_type = #tpu.core_type<sc_vector_subcore>, window_params = [{transform_indices = #map}, {transform_indices = #map}, {transform_indices = #map}, {transform_indices = #map1}]} {
    %mul3A = arith.constant 2 : i32
    %mul3A_0 = arith.muli %arg1, %mul3A : i32
    %add3A = arith.addi %mul3A_0, %arg0 : i32
    %mul3A_1 = arith.constant 3200 : i32
    %mul3A_2 = arith.muli %add3A, %mul3A_1 : i32
    tpu.enqueue_dma source(%arg2 : memref<1600xi32, #tpu.memory_space<hbm>>) target(%arg6 : memref<1600xi32, #tpu.memory_space<vmem>>) target_semaphore(%arg10 : memref<!tpu.dma_semaphore, #tpu.memory_space<semaphore_mem>>)
    %dma_start3A = tpu.memref_slice %arg4[%mul3A_2] : memref<102400xi32, #tpu.memory_space<hbm>> -> memref<3200xi32, #tpu.memory_space<hbm>>
    %dma_start3A_3 = tpu.memref_slice %arg4[%mul3A_2] : memref<102400xi32, #tpu.memory_space<hbm>> -> memref<3200xi32, #tpu.memory_space<hbm>>
    tpu.enqueue_dma source(%dma_start3A_3 : memref<3200xi32, #tpu.memory_space<hbm>>) target(%arg8 : memref<3200xi32, #tpu.memory_space<vmem>>) target_semaphore(%arg12 : memref<!tpu.dma_semaphore, #tpu.memory_space<semaphore_mem>>)
    %dma_start3A_4 = tpu.memref_slice %arg3[%mul3A_2] : memref<102400xi32, #tpu.memory_space<hbm>> -> memref<3200xi32, #tpu.memory_space<hbm>>
    %dma_start3A_5 = tpu.memref_slice %arg3[%mul3A_2] : memref<102400xi32, #tpu.memory_space<hbm>> -> memref<3200xi32, #tpu.memory_space<hbm>>
    tpu.enqueue_dma source(%dma_start3A_5 : memref<3200xi32, #tpu.memory_space<hbm>>) target(%arg7 : memref<3200xi32, #tpu.memory_space<vmem>>) target_semaphore(%arg11 : memref<!tpu.dma_semaphore, #tpu.memory_space<semaphore_mem>>)
    %while3A = arith.constant 0 : i32
    %while3A_6 = arith.constant 0 : i32
    %while3A_7 = arith.constant 100 : i32
    %while3A_8 = arith.subi %while3A_7, %while3A_6 : i32
    %while3A_9 = arith.addi %while3A_6, %while3A_8 : i32
    %while3A_10 = arith.constant 1 : i32
    %while3A_11 = arith.divsi %while3A_8, %while3A_10 : i32
    %while3A_12 = arith.muli %while3A_11, %while3A_10 : i32
    %while3A_13 = arith.addi %while3A_6, %while3A_12 : i32
    %while3A_14 = arith.constant 1 : i32
    scf.for %while3A_30 = %while3A_6 to %while3A_13 step %while3A_14  : i32 {
      %broadcast_in_dim3A = arith.constant 0 : i32
      %broadcast_in_dim3A_31 = vector.broadcast %broadcast_in_dim3A : i32 to vector<16xi32>
      %mul3A_32 = arith.constant 16 : i32
      %mul3A_33 = arith.muli %while3A_30, %mul3A_32 : i32
      %swap3A = arith.index_cast %mul3A_33 : i32 to index
      %swap3A_34 = tpu.vector_load %arg9[%swap3A] {strides = array<i32>} : memref<1600xi32, #tpu.memory_space<vmem>>, vector<16xi32>,
      tpu.vector_store %arg9[%swap3A], %broadcast_in_dim3A_31 {strides = array<i32>} : memref<1600xi32, #tpu.memory_space<vmem>>, vector<16xi32>,
    }
    %while3A_15 = arith.constant 1 : i32
    scf.for %while3A_30 = %while3A_13 to %while3A_9 step %while3A_15  : i32 {
      %broadcast_in_dim3A = arith.constant 0 : i32
      %broadcast_in_dim3A_31 = vector.broadcast %broadcast_in_dim3A : i32 to vector<16xi32>
      %mul3A_32 = arith.constant 16 : i32
      %mul3A_33 = arith.muli %while3A_30, %mul3A_32 : i32
      %swap3A = arith.index_cast %mul3A_33 : i32 to index
      %swap3A_34 = tpu.vector_load %arg9[%swap3A] {strides = array<i32>} : memref<1600xi32, #tpu.memory_space<vmem>>, vector<16xi32>,
      tpu.vector_store %arg9[%swap3A], %broadcast_in_dim3A_31 {strides = array<i32>} : memref<1600xi32, #tpu.memory_space<vmem>>, vector<16xi32>,
    }
    tpu.wait_dma2 semaphore(%arg10 : memref<!tpu.dma_semaphore, #tpu.memory_space<semaphore_mem>>) src(%arg2 : memref<1600xi32, #tpu.memory_space<hbm>>) dst(%arg6 : memref<1600xi32, #tpu.memory_space<vmem>>)
    %dma_wait3A = tpu.memref_slice %arg4[%mul3A_2] : memref<102400xi32, #tpu.memory_space<hbm>> -> memref<3200xi32, #tpu.memory_space<hbm>>
    %dma_wait3A_16 = tpu.memref_slice %arg4[%mul3A_2] : memref<102400xi32, #tpu.memory_space<hbm>> -> memref<3200xi32, #tpu.memory_space<hbm>>
    tpu.wait_dma2 semaphore(%arg12 : memref<!tpu.dma_semaphore, #tpu.memory_space<semaphore_mem>>) src(%dma_wait3A_16 : memref<3200xi32, #tpu.memory_space<hbm>>) dst(%arg8 : memref<3200xi32, #tpu.memory_space<vmem>>)
    %dma_wait3A_17 = tpu.memref_slice %arg3[%mul3A_2] : memref<102400xi32, #tpu.memory_space<hbm>> -> memref<3200xi32, #tpu.memory_space<hbm>>
    %dma_wait3A_18 = tpu.memref_slice %arg3[%mul3A_2] : memref<102400xi32, #tpu.memory_space<hbm>> -> memref<3200xi32, #tpu.memory_space<hbm>>
    tpu.wait_dma2 semaphore(%arg11 : memref<!tpu.dma_semaphore, #tpu.memory_space<semaphore_mem>>) src(%dma_wait3A_18 : memref<3200xi32, #tpu.memory_space<hbm>>) dst(%arg7 : memref<3200xi32, #tpu.memory_space<vmem>>)
    %while3A_19 = arith.constant 0 : i32
    %while3A_20 = arith.constant 0 : i32
    %while3A_21 = arith.constant 25 : i32
    %while3A_22 = arith.subi %while3A_21, %while3A_20 : i32
    %while3A_23 = arith.addi %while3A_20, %while3A_22 : i32
    %while3A_24 = arith.constant 1 : i32
    %while3A_25 = arith.divsi %while3A_22, %while3A_24 : i32
    %while3A_26 = arith.muli %while3A_25, %while3A_24 : i32
    %while3A_27 = arith.addi %while3A_20, %while3A_26 : i32
    %while3A_28 = arith.constant 1 : i32
    scf.for %while3A_30 = %while3A_20 to %while3A_27 step %while3A_28  : i32 {
      %mul3A_31 = arith.constant 128 : i32
      %mul3A_32 = arith.muli %while3A_30, %mul3A_31 : i32
      %add3A_33 = arith.constant 0 : i32
      %add3A_34 = arith.addi %mul3A_32, %add3A_33 : i32
      %add3A_35 = arith.constant 16 : i32
      %add3A_36 = arith.addi %mul3A_32, %add3A_35 : i32
      %add3A_37 = arith.constant 32 : i32
      %add3A_38 = arith.addi %mul3A_32, %add3A_37 : i32
      %add3A_39 = arith.constant 48 : i32
      %add3A_40 = arith.addi %mul3A_32, %add3A_39 : i32
      %add3A_41 = arith.constant 64 : i32
      %add3A_42 = arith.addi %mul3A_32, %add3A_41 : i32
      %add3A_43 = arith.constant 80 : i32
      %add3A_44 = arith.addi %mul3A_32, %add3A_43 : i32
      %add3A_45 = arith.constant 96 : i32
      %add3A_46 = arith.addi %mul3A_32, %add3A_45 : i32
      %add3A_47 = arith.constant 112 : i32
      %add3A_48 = arith.addi %mul3A_32, %add3A_47 : i32
      %get3A = arith.index_cast %add3A_34 : i32 to index
      %get3A_49 = tpu.vector_load %arg7[%get3A] {strides = array<i32>} : memref<3200xi32, #tpu.memory_space<vmem>>, vector<16xi32>,
      %get3A_50 = arith.index_cast %add3A_36 : i32 to index
      %get3A_51 = tpu.vector_load %arg7[%get3A_50] {strides = array<i32>} : memref<3200xi32, #tpu.memory_space<vmem>>, vector<16xi32>,
      %get3A_52 = arith.index_cast %add3A_38 : i32 to index
      %get3A_53 = tpu.vector_load %arg7[%get3A_52] {strides = array<i32>} : memref<3200xi32, #tpu.memory_space<vmem>>, vector<16xi32>,
      %get3A_54 = arith.index_cast %add3A_40 : i32 to index
      %get3A_55 = tpu.vector_load %arg7[%get3A_54] {strides = array<i32>} : memref<3200xi32, #tpu.memory_space<vmem>>, vector<16xi32>,
      %get3A_56 = arith.index_cast %add3A_42 : i32 to index
      %get3A_57 = tpu.vector_load %arg7[%get3A_56] {strides = array<i32>} : memref<3200xi32, #tpu.memory_space<vmem>>, vector<16xi32>,
      %get3A_58 = arith.index_cast %add3A_44 : i32 to index
      %get3A_59 = tpu.vector_load %arg7[%get3A_58] {strides = array<i32>} : memref<3200xi32, #tpu.memory_space<vmem>>, vector<16xi32>,
      %get3A_60 = arith.index_cast %add3A_46 : i32 to index
      %get3A_61 = tpu.vector_load %arg7[%get3A_60] {strides = array<i32>} : memref<3200xi32, #tpu.memory_space<vmem>>, vector<16xi32>,
      %get3A_62 = arith.index_cast %add3A_48 : i32 to index
      %get3A_63 = tpu.vector_load %arg7[%get3A_62] {strides = array<i32>} : memref<3200xi32, #tpu.memory_space<vmem>>, vector<16xi32>,
      %gather3A = tpu.vector_load_idx %arg6[%get3A_49] : memref<1600xi32, #tpu.memory_space<vmem>>[vector<16xi32>], vector<16xi32>,
      %gather3A_64 = tpu.vector_load_idx %arg6[%get3A_51] : memref<1600xi32, #tpu.memory_space<vmem>>[vector<16xi32>], vector<16xi32>,
      %gather3A_65 = tpu.vector_load_idx %arg6[%get3A_53] : memref<1600xi32, #tpu.memory_space<vmem>>[vector<16xi32>], vector<16xi32>,
      %gather3A_66 = tpu.vector_load_idx %arg6[%get3A_55] : memref<1600xi32, #tpu.memory_space<vmem>>[vector<16xi32>], vector<16xi32>,
      %gather3A_67 = tpu.vector_load_idx %arg6[%get3A_57] : memref<1600xi32, #tpu.memory_space<vmem>>[vector<16xi32>], vector<16xi32>,
      %gather3A_68 = tpu.vector_load_idx %arg6[%get3A_59] : memref<1600xi32, #tpu.memory_space<vmem>>[vector<16xi32>], vector<16xi32>,
      %gather3A_69 = tpu.vector_load_idx %arg6[%get3A_61] : memref<1600xi32, #tpu.memory_space<vmem>>[vector<16xi32>], vector<16xi32>,
      %gather3A_70 = tpu.vector_load_idx %arg6[%get3A_63] : memref<1600xi32, #tpu.memory_space<vmem>>[vector<16xi32>], vector<16xi32>,
      %get3A_71 = arith.index_cast %add3A_34 : i32 to index
      %get3A_72 = tpu.vector_load %arg8[%get3A_71] {strides = array<i32>} : memref<3200xi32, #tpu.memory_space<vmem>>, vector<16xi32>,
      %get3A_73 = arith.index_cast %add3A_36 : i32 to index
      %get3A_74 = tpu.vector_load %arg8[%get3A_73] {strides = array<i32>} : memref<3200xi32, #tpu.memory_space<vmem>>, vector<16xi32>,
      %get3A_75 = arith.index_cast %add3A_38 : i32 to index
      %get3A_76 = tpu.vector_load %arg8[%get3A_75] {strides = array<i32>} : memref<3200xi32, #tpu.memory_space<vmem>>, vector<16xi32>,
      %get3A_77 = arith.index_cast %add3A_40 : i32 to index
      %get3A_78 = tpu.vector_load %arg8[%get3A_77] {strides = array<i32>} : memref<3200xi32, #tpu.memory_space<vmem>>, vector<16xi32>,
      %get3A_79 = arith.index_cast %add3A_42 : i32 to index
      %get3A_80 = tpu.vector_load %arg8[%get3A_79] {strides = array<i32>} : memref<3200xi32, #tpu.memory_space<vmem>>, vector<16xi32>,
      %get3A_81 = arith.index_cast %add3A_44 : i32 to index
      %get3A_82 = tpu.vector_load %arg8[%get3A_81] {strides = array<i32>} : memref<3200xi32, #tpu.memory_space<vmem>>, vector<16xi32>,
      %get3A_83 = arith.index_cast %add3A_46 : i32 to index
      %get3A_84 = tpu.vector_load %arg8[%get3A_83] {strides = array<i32>} : memref<3200xi32, #tpu.memory_space<vmem>>, vector<16xi32>,
      %get3A_85 = arith.index_cast %add3A_48 : i32 to index
      %get3A_86 = tpu.vector_load %arg8[%get3A_85] {strides = array<i32>} : memref<3200xi32, #tpu.memory_space<vmem>>, vector<16xi32>,
      tpu.vector_store_idx %arg9[%get3A_72], %gather3A {add = true} : memref<1600xi32, #tpu.memory_space<vmem>>[vector<16xi32>], vector<16xi32>,
      tpu.vector_store_idx %arg9[%get3A_74], %gather3A_64 {add = true} : memref<1600xi32, #tpu.memory_space<vmem>>[vector<16xi32>], vector<16xi32>,
      tpu.vector_store_idx %arg9[%get3A_76], %gather3A_65 {add = true} : memref<1600xi32, #tpu.memory_space<vmem>>[vector<16xi32>], vector<16xi32>,
      tpu.vector_store_idx %arg9[%get3A_78], %gather3A_66 {add = true} : memref<1600xi32, #tpu.memory_space<vmem>>[vector<16xi32>], vector<16xi32>,
      tpu.vector_store_idx %arg9[%get3A_80], %gather3A_67 {add = true} : memref<1600xi32, #tpu.memory_space<vmem>>[vector<16xi32>], vector<16xi32>,
      tpu.vector_store_idx %arg9[%get3A_82], %gather3A_68 {add = true} : memref<1600xi32, #tpu.memory_space<vmem>>[vector<16xi32>], vector<16xi32>,
      tpu.vector_store_idx %arg9[%get3A_84], %gather3A_69 {add = true} : memref<1600xi32, #tpu.memory_space<vmem>>[vector<16xi32>], vector<16xi32>,
      tpu.vector_store_idx %arg9[%get3A_86], %gather3A_70 {add = true} : memref<1600xi32, #tpu.memory_space<vmem>>[vector<16xi32>], vector<16xi32>,
    }
    %while3A_29 = arith.constant 1 : i32
    scf.for %while3A_30 = %while3A_27 to %while3A_23 step %while3A_29  : i32 {
      %mul3A_31 = arith.constant 128 : i32
      %mul3A_32 = arith.muli %while3A_30, %mul3A_31 : i32
      %add3A_33 = arith.constant 0 : i32
      %add3A_34 = arith.addi %mul3A_32, %add3A_33 : i32
      %add3A_35 = arith.constant 16 : i32
      %add3A_36 = arith.addi %mul3A_32, %add3A_35 : i32
      %add3A_37 = arith.constant 32 : i32
      %add3A_38 = arith.addi %mul3A_32, %add3A_37 : i32
      %add3A_39 = arith.constant 48 : i32
      %add3A_40 = arith.addi %mul3A_32, %add3A_39 : i32
      %add3A_41 = arith.constant 64 : i32
      %add3A_42 = arith.addi %mul3A_32, %add3A_41 : i32
      %add3A_43 = arith.constant 80 : i32
      %add3A_44 = arith.addi %mul3A_32, %add3A_43 : i32
      %add3A_45 = arith.constant 96 : i32
      %add3A_46 = arith.addi %mul3A_32, %add3A_45 : i32
      %add3A_47 = arith.constant 112 : i32
      %add3A_48 = arith.addi %mul3A_32, %add3A_47 : i32
      %get3A = arith.index_cast %add3A_34 : i32 to index
      %get3A_49 = tpu.vector_load %arg7[%get3A] {strides = array<i32>} : memref<3200xi32, #tpu.memory_space<vmem>>, vector<16xi32>,
      %get3A_50 = arith.index_cast %add3A_36 : i32 to index
      %get3A_51 = tpu.vector_load %arg7[%get3A_50] {strides = array<i32>} : memref<3200xi32, #tpu.memory_space<vmem>>, vector<16xi32>,
      %get3A_52 = arith.index_cast %add3A_38 : i32 to index
      %get3A_53 = tpu.vector_load %arg7[%get3A_52] {strides = array<i32>} : memref<3200xi32, #tpu.memory_space<vmem>>, vector<16xi32>,
      %get3A_54 = arith.index_cast %add3A_40 : i32 to index
      %get3A_55 = tpu.vector_load %arg7[%get3A_54] {strides = array<i32>} : memref<3200xi32, #tpu.memory_space<vmem>>, vector<16xi32>,
      %get3A_56 = arith.index_cast %add3A_42 : i32 to index
      %get3A_57 = tpu.vector_load %arg7[%get3A_56] {strides = array<i32>} : memref<3200xi32, #tpu.memory_space<vmem>>, vector<16xi32>,
      %get3A_58 = arith.index_cast %add3A_44 : i32 to index
      %get3A_59 = tpu.vector_load %arg7[%get3A_58] {strides = array<i32>} : memref<3200xi32, #tpu.memory_space<vmem>>, vector<16xi32>,
      %get3A_60 = arith.index_cast %add3A_46 : i32 to index
      %get3A_61 = tpu.vector_load %arg7[%get3A_60] {strides = array<i32>} : memref<3200xi32, #tpu.memory_space<vmem>>, vector<16xi32>,
      %get3A_62 = arith.index_cast %add3A_48 : i32 to index
      %get3A_63 = tpu.vector_load %arg7[%get3A_62] {strides = array<i32>} : memref<3200xi32, #tpu.memory_space<vmem>>, vector<16xi32>,
      %gather3A = tpu.vector_load_idx %arg6[%get3A_49] : memref<1600xi32, #tpu.memory_space<vmem>>[vector<16xi32>], vector<16xi32>,
      %gather3A_64 = tpu.vector_load_idx %arg6[%get3A_51] : memref<1600xi32, #tpu.memory_space<vmem>>[vector<16xi32>], vector<16xi32>,
      %gather3A_65 = tpu.vector_load_idx %arg6[%get3A_53] : memref<1600xi32, #tpu.memory_space<vmem>>[vector<16xi32>], vector<16xi32>,
      %gather3A_66 = tpu.vector_load_idx %arg6[%get3A_55] : memref<1600xi32, #tpu.memory_space<vmem>>[vector<16xi32>], vector<16xi32>,
      %gather3A_67 = tpu.vector_load_idx %arg6[%get3A_57] : memref<1600xi32, #tpu.memory_space<vmem>>[vector<16xi32>], vector<16xi32>,
      %gather3A_68 = tpu.vector_load_idx %arg6[%get3A_59] : memref<1600xi32, #tpu.memory_space<vmem>>[vector<16xi32>], vector<16xi32>,
      %gather3A_69 = tpu.vector_load_idx %arg6[%get3A_61] : memref<1600xi32, #tpu.memory_space<vmem>>[vector<16xi32>], vector<16xi32>,
      %gather3A_70 = tpu.vector_load_idx %arg6[%get3A_63] : memref<1600xi32, #tpu.memory_space<vmem>>[vector<16xi32>], vector<16xi32>,
      %get3A_71 = arith.index_cast %add3A_34 : i32 to index
      %get3A_72 = tpu.vector_load %arg8[%get3A_71] {strides = array<i32>} : memref<3200xi32, #tpu.memory_space<vmem>>, vector<16xi32>,
      %get3A_73 = arith.index_cast %add3A_36 : i32 to index
      %get3A_74 = tpu.vector_load %arg8[%get3A_73] {strides = array<i32>} : memref<3200xi32, #tpu.memory_space<vmem>>, vector<16xi32>,
      %get3A_75 = arith.index_cast %add3A_38 : i32 to index
      %get3A_76 = tpu.vector_load %arg8[%get3A_75] {strides = array<i32>} : memref<3200xi32, #tpu.memory_space<vmem>>, vector<16xi32>,
      %get3A_77 = arith.index_cast %add3A_40 : i32 to index
      %get3A_78 = tpu.vector_load %arg8[%get3A_77] {strides = array<i32>} : memref<3200xi32, #tpu.memory_space<vmem>>, vector<16xi32>,
      %get3A_79 = arith.index_cast %add3A_42 : i32 to index
      %get3A_80 = tpu.vector_load %arg8[%get3A_79] {strides = array<i32>} : memref<3200xi32, #tpu.memory_space<vmem>>, vector<16xi32>,
      %get3A_81 = arith.index_cast %add3A_44 : i32 to index
      %get3A_82 = tpu.vector_load %arg8[%get3A_81] {strides = array<i32>} : memref<3200xi32, #tpu.memory_space<vmem>>, vector<16xi32>,
      %get3A_83 = arith.index_cast %add3A_46 : i32 to index
      %get3A_84 = tpu.vector_load %arg8[%get3A_83] {strides = array<i32>} : memref<3200xi32, #tpu.memory_space<vmem>>, vector<16xi32>,
      %get3A_85 = arith.index_cast %add3A_48 : i32 to index
      %get3A_86 = tpu.vector_load %arg8[%get3A_85] {strides = array<i32>} : memref<3200xi32, #tpu.memory_space<vmem>>, vector<16xi32>,
      tpu.vector_store_idx %arg9[%get3A_72], %gather3A {add = true} : memref<1600xi32, #tpu.memory_space<vmem>>[vector<16xi32>], vector<16xi32>,
      tpu.vector_store_idx %arg9[%get3A_74], %gather3A_64 {add = true} : memref<1600xi32, #tpu.memory_space<vmem>>[vector<16xi32>], vector<16xi32>,
      tpu.vector_store_idx %arg9[%get3A_76], %gather3A_65 {add = true} : memref<1600xi32, #tpu.memory_space<vmem>>[vector<16xi32>], vector<16xi32>,
      tpu.vector_store_idx %arg9[%get3A_78], %gather3A_66 {add = true} : memref<1600xi32, #tpu.memory_space<vmem>>[vector<16xi32>], vector<16xi32>,
      tpu.vector_store_idx %arg9[%get3A_80], %gather3A_67 {add = true} : memref<1600xi32, #tpu.memory_space<vmem>>[vector<16xi32>], vector<16xi32>,
      tpu.vector_store_idx %arg9[%get3A_82], %gather3A_68 {add = true} : memref<1600xi32, #tpu.memory_space<vmem>>[vector<16xi32>], vector<16xi32>,
      tpu.vector_store_idx %arg9[%get3A_84], %gather3A_69 {add = true} : memref<1600xi32, #tpu.memory_space<vmem>>[vector<16xi32>], vector<16xi32>,
      tpu.vector_store_idx %arg9[%get3A_86], %gather3A_70 {add = true} : memref<1600xi32, #tpu.memory_space<vmem>>[vector<16xi32>], vector<16xi32>,
    }
    "tpu.region"() ({
      %run_scoped3A = tpu.sem_alloc : memref<!tpu.dma_semaphore, #tpu.memory_space<semaphore_mem>>
      %dma_start3A_30 = arith.constant 0 : i32
      %dma_start3A_31 = tpu.memref_slice %arg5[%add3A, %dma_start3A_30] : memref<32x1600xi32, #tpu.memory_space<hbm>> -> memref<1x1600xi32, #tpu.memory_space<hbm>>
      %dma_start3A_32 = tpu.memref_squeeze %dma_start3A_31 : memref<1x1600xi32, #tpu.memory_space<hbm>> -> memref<1600xi32, #tpu.memory_space<hbm>>
      %dma_start3A_33 = arith.constant 0 : i32
      %dma_start3A_34 = tpu.memref_slice %arg5[%add3A, %dma_start3A_33] : memref<32x1600xi32, #tpu.memory_space<hbm>> -> memref<1x1600xi32, #tpu.memory_space<hbm>>
      %dma_start3A_35 = tpu.memref_squeeze %dma_start3A_34 : memref<1x1600xi32, #tpu.memory_space<hbm>> -> memref<1600xi32, #tpu.memory_space<hbm>>
      tpu.enqueue_dma source(%arg9 : memref<1600xi32, #tpu.memory_space<vmem>>) target(%dma_start3A_35 : memref<1600xi32, #tpu.memory_space<hbm>>) target_semaphore(%run_scoped3A : memref<!tpu.dma_semaphore, #tpu.memory_space<semaphore_mem>>)
      %dma_wait3A_36 = arith.constant 0 : i32
      %dma_wait3A_37 = tpu.memref_slice %arg5[%add3A, %dma_wait3A_36] : memref<32x1600xi32, #tpu.memory_space<hbm>> -> memref<1x1600xi32, #tpu.memory_space<hbm>>
      %dma_wait3A_38 = tpu.memref_squeeze %dma_wait3A_37 : memref<1x1600xi32, #tpu.memory_space<hbm>> -> memref<1600xi32, #tpu.memory_space<hbm>>
      %dma_wait3A_39 = arith.constant 0 : i32
      %dma_wait3A_40 = tpu.memref_slice %arg5[%add3A, %dma_wait3A_39] : memref<32x1600xi32, #tpu.memory_space<hbm>> -> memref<1x1600xi32, #tpu.memory_space<hbm>>
      %dma_wait3A_41 = tpu.memref_squeeze %dma_wait3A_40 : memref<1x1600xi32, #tpu.memory_space<hbm>> -> memref<1600xi32, #tpu.memory_space<hbm>>
      tpu.wait_dma2 semaphore(%run_scoped3A : memref<!tpu.dma_semaphore, #tpu.memory_space<semaphore_mem>>) src(%arg9 : memref<1600xi32, #tpu.memory_space<vmem>>) dst(%dma_wait3A_41 : memref<1600xi32, #tpu.memory_space<hbm>>)
      tpu.yield
    }) : () -> ()
    return
  }
}

module attributes {stable_mosaic.version = 14 : i64} {
  func.func @_tc_init_body(%arg0: memref<1600x64xf32, #tpu.memory_space<vmem>>, %arg1: memref<1600xi32, #tpu.memory_space<vmem>>, %arg2: memref<1600xi32, #tpu.memory_space<vmem>>) attributes {dimension_semantics = [], scalar_prefetch = 0 : i64, scratch_operands = 0 : i64, tpu.core_type = #tpu.core_type<tc>} {
    %get3A = arith.constant 0 : index
    %get3A_0 = arith.constant 0 : index
    %get3A_1 = vector.load %arg0[%get3A, %get3A_0] : memref<1600x64xf32, #tpu.memory_space<vmem>>, vector<1600x64xf32>
    %reduce_max3A = arith.constant dense<0xFF800000> : vector<1600xf32>
    %reduce_max3A_2 = vector.multi_reduction <maximumf>, %get3A_1, %reduce_max3A [1] : vector<1600x64xf32> to vector<1600xf32>
    %broadcast_in_dim3A = vector.shape_cast %reduce_max3A_2 : vector<1600xf32> to vector<1600x1xf32>
    %iota3A = tpu.iota {dimensions = array<i32: 1>} : vector<1600x64xi32>
    %eq3A = vector.broadcast %broadcast_in_dim3A : vector<1600x1xf32> to vector<1600x64xf32>
    %eq3A_3 = arith.cmpf oeq, %get3A_1, %eq3A : vector<1600x64xf32>
    %jit3A = arith.constant 1073741824 : i32
    %broadcast_in_dim3A_4 = vector.broadcast %jit3A : i32 to vector<1600x64xi32>
    %select_n3A = arith.select %eq3A_3, %iota3A, %broadcast_in_dim3A_4 : vector<1600x64xi1>, vector<1600x64xi32>
    %reduce_min3A = arith.constant dense<2147483647> : vector<1600xi32>
    %reduce_min3A_5 = vector.multi_reduction <minsi>, %select_n3A, %reduce_min3A [1] : vector<1600x64xi32> to vector<1600xi32>
    %swap3A = arith.constant 0 : index
    %swap3A_6 = vector.load %arg1[%swap3A] : memref<1600xi32, #tpu.memory_space<vmem>>, vector<1600xi32>
    tpu.vector_store %arg1[%swap3A], %reduce_min3A_5 {strides = array<i32>} : memref<1600xi32, #tpu.memory_space<vmem>>, vector<1600xi32>,
    %add3A = arith.constant 1 : i32
    %add3A_7 = vector.broadcast %add3A : i32 to vector<1600xi32>
    %add3A_8 = arith.addi %reduce_min3A_5, %add3A_7 : vector<1600xi32>
    %mul3A = arith.constant -1640531535 : i32
    %mul3A_9 = vector.broadcast %mul3A : i32 to vector<1600xi32>
    %mul3A_10 = arith.muli %add3A_8, %mul3A_9 : vector<1600xi32>
    %swap3A_11 = arith.constant 0 : index
    %swap3A_12 = vector.load %arg2[%swap3A_11] : memref<1600xi32, #tpu.memory_space<vmem>>, vector<1600xi32>
    tpu.vector_store %arg2[%swap3A_11], %mul3A_10 {strides = array<i32>} : memref<1600xi32, #tpu.memory_space<vmem>>, vector<1600xi32>,
    return
  }
}

module attributes {stable_mosaic.version = 14 : i64} {
  func.func @_tc_relabel_body(%arg0: memref<32x1600xi32, #tpu.memory_space<vmem>>, %arg1: memref<1600xi32, #tpu.memory_space<vmem>>, %arg2: memref<1600xi32, #tpu.memory_space<vmem>>, %arg3: memref<1600xi32, #tpu.memory_space<vmem>>) attributes {dimension_semantics = [], scalar_prefetch = 0 : i64, scratch_operands = 0 : i64, tpu.core_type = #tpu.core_type<tc>} {
    %get3A = arith.constant 0 : index
    %get3A_0 = arith.constant 0 : index
    %get3A_1 = vector.load %arg0[%get3A, %get3A_0] : memref<32x1600xi32, #tpu.memory_space<vmem>>, vector<32x1600xi32>
    %reduce_sum3A = arith.constant dense<0> : vector<1600xi32>
    %reduce_sum3A_2 = vector.multi_reduction <add>, %get3A_1, %reduce_sum3A [0] : vector<32x1600xi32> to vector<1600xi32>
    %broadcast_in_dim3A = vector.shape_cast %reduce_sum3A_2 : vector<1600xi32> to vector<1x1600xi32>
    %get3A_3 = arith.constant 0 : index
    %get3A_4 = vector.load %arg1[%get3A_3] : memref<1600xi32, #tpu.memory_space<vmem>>, vector<1600xi32>
    %reshape3A = vector.shape_cast %get3A_4 : vector<1600xi32> to vector<1x1600xi32>
    %mul3A = arith.constant 40503 : i32
    %mul3A_5 = vector.broadcast %mul3A : i32 to vector<1x1600xi32>
    %mul3A_6 = arith.muli %reshape3A, %mul3A_5 : vector<1x1600xi32>
    %mul3A_7 = arith.constant -2048144777 : i32
    %mul3A_8 = vector.broadcast %mul3A_7 : i32 to vector<1x1600xi32>
    %mul3A_9 = arith.muli %broadcast_in_dim3A, %mul3A_8 : vector<1x1600xi32>
    %add3A = arith.addi %mul3A_6, %mul3A_9 : vector<1x1600xi32>
    %add3A_10 = arith.constant -1028477379 : i32
    %add3A_11 = vector.broadcast %add3A_10 : i32 to vector<1x1600xi32>
    %add3A_12 = arith.addi %add3A, %add3A_11 : vector<1x1600xi32>
    %shift_right_logical3A = arith.constant 15 : i32
    %shift_right_logical3A_13 = vector.broadcast %shift_right_logical3A : i32 to vector<1x1600xi32>
    %shift_right_logical3A_14 = arith.shrui %add3A_12, %shift_right_logical3A_13 : vector<1x1600xi32>
    %xor3A = arith.xori %add3A_12, %shift_right_logical3A_14 : vector<1x1600xi32>
    %xor3A_15 = arith.constant -2147483648 : i32
    %xor3A_16 = vector.broadcast %xor3A_15 : i32 to vector<1x1600xi32>
    %xor3A_17 = arith.xori %xor3A, %xor3A_16 : vector<1x1600xi32>
    %transpose3A = tpu.transpose %xor3A_17, [1, 0] : vector<1x1600xi32> -> vector<1600x1xi32>
    %iota3A = tpu.iota {dimensions = array<i32: 0>} : vector<1600x1600xi32>
    %iota3A_18 = tpu.iota {dimensions = array<i32: 1>} : vector<1600x1600xi32>
    %eq3A = vector.broadcast %transpose3A : vector<1600x1xi32> to vector<1600x1600xi32>
    %eq3A_19 = vector.broadcast %xor3A_17 : vector<1x1600xi32> to vector<1600x1600xi32>
    %eq3A_20 = arith.cmpi eq, %eq3A, %eq3A_19 : vector<1600x1600xi32>
    %lt3A = arith.cmpi slt, %iota3A, %iota3A_18 : vector<1600x1600xi32>
    %and3A = arith.andi %eq3A_20, %lt3A : vector<1600x1600xi1>
    %convert_element_type3A = arith.extui %and3A : vector<1600x1600xi1> to vector<1600x1600xi32>
    %reduce_sum3A_21 = arith.constant dense<0> : vector<1600xi32>
    %reduce_sum3A_22 = vector.multi_reduction <add>, %convert_element_type3A, %reduce_sum3A_21 [0] : vector<1600x1600xi32> to vector<1600xi32>
    %broadcast_in_dim3A_23 = vector.shape_cast %reduce_sum3A_22 : vector<1600xi32> to vector<1x1600xi32>
    %eq3A_24 = arith.constant 0 : i32
    %eq3A_25 = vector.broadcast %eq3A_24 : i32 to vector<1x1600xi32>
    %eq3A_26 = arith.cmpi eq, %broadcast_in_dim3A_23, %eq3A_25 : vector<1x1600xi32>
    %jit3A = arith.constant 1 : i32
    %jit3A_27 = arith.constant 0 : i32
    %broadcast_in_dim3A_28 = vector.broadcast %jit3A : i32 to vector<1x1600xi32>
    %broadcast_in_dim3A_29 = vector.broadcast %jit3A_27 : i32 to vector<1x1600xi32>
    %select_n3A = arith.select %eq3A_26, %broadcast_in_dim3A_28, %broadcast_in_dim3A_29 : vector<1x1600xi1>, vector<1x1600xi32>
    %transpose3A_30 = tpu.transpose %select_n3A, [1, 0] : vector<1x1600xi32> -> vector<1600x1xi32>
    %lt3A_31 = vector.broadcast %transpose3A : vector<1600x1xi32> to vector<1600x1600xi32>
    %lt3A_32 = vector.broadcast %xor3A_17 : vector<1x1600xi32> to vector<1600x1600xi32>
    %lt3A_33 = arith.cmpi slt, %lt3A_31, %lt3A_32 : vector<1600x1600xi32>
    %gt3A = arith.constant 0 : i32
    %gt3A_34 = vector.broadcast %gt3A : i32 to vector<1600x1xi32>
    %gt3A_35 = arith.cmpi sgt, %transpose3A_30, %gt3A_34 : vector<1600x1xi32>
    %and3A_36 = vector.broadcast %gt3A_35 : vector<1600x1xi1> to vector<1600x1600xi1>
    %and3A_37 = arith.andi %lt3A_33, %and3A_36 : vector<1600x1600xi1>
    %convert_element_type3A_38 = arith.extui %and3A_37 : vector<1600x1600xi1> to vector<1600x1600xi32>
    %reduce_sum3A_39 = arith.constant dense<0> : vector<1600xi32>
    %reduce_sum3A_40 = vector.multi_reduction <add>, %convert_element_type3A_38, %reduce_sum3A_39 [0] : vector<1600x1600xi32> to vector<1600xi32>
    %swap3A = arith.constant 0 : index
    %swap3A_41 = vector.load %arg2[%swap3A] : memref<1600xi32, #tpu.memory_space<vmem>>, vector<1600xi32>
    tpu.vector_store %arg2[%swap3A], %reduce_sum3A_40 {strides = array<i32>} : memref<1600xi32, #tpu.memory_space<vmem>>, vector<1600xi32>,
    %add3A_42 = arith.constant 1 : i32
    %add3A_43 = vector.broadcast %add3A_42 : i32 to vector<1600xi32>
    %add3A_44 = arith.addi %reduce_sum3A_40, %add3A_43 : vector<1600xi32>
    %mul3A_45 = arith.constant -1640531535 : i32
    %mul3A_46 = vector.broadcast %mul3A_45 : i32 to vector<1600xi32>
    %mul3A_47 = arith.muli %add3A_44, %mul3A_46 : vector<1600xi32>
    %swap3A_48 = arith.constant 0 : index
    %swap3A_49 = vector.load %arg3[%swap3A_48] : memref<1600xi32, #tpu.memory_space<vmem>>, vector<1600xi32>
    tpu.vector_store %arg3[%swap3A_48], %mul3A_47 {strides = array<i32>} : memref<1600xi32, #tpu.memory_space<vmem>>, vector<1600xi32>,
    return
  }
}

module attributes {stable_mosaic.version = 14 : i64} {
  func.func @_tc_relabel_body(%arg0: memref<32x1600xi32, #tpu.memory_space<vmem>>, %arg1: memref<1600xi32, #tpu.memory_space<vmem>>, %arg2: memref<1600xi32, #tpu.memory_space<vmem>>, %arg3: memref<1600xi32, #tpu.memory_space<vmem>>) attributes {dimension_semantics = [], scalar_prefetch = 0 : i64, scratch_operands = 0 : i64, tpu.core_type = #tpu.core_type<tc>} {
    %get3A = arith.constant 0 : index
    %get3A_0 = arith.constant 0 : index
    %get3A_1 = vector.load %arg0[%get3A, %get3A_0] : memref<32x1600xi32, #tpu.memory_space<vmem>>, vector<32x1600xi32>
    %reduce_sum3A = arith.constant dense<0> : vector<1600xi32>
    %reduce_sum3A_2 = vector.multi_reduction <add>, %get3A_1, %reduce_sum3A [0] : vector<32x1600xi32> to vector<1600xi32>
    %broadcast_in_dim3A = vector.shape_cast %reduce_sum3A_2 : vector<1600xi32> to vector<1x1600xi32>
    %get3A_3 = arith.constant 0 : index
    %get3A_4 = vector.load %arg1[%get3A_3] : memref<1600xi32, #tpu.memory_space<vmem>>, vector<1600xi32>
    %reshape3A = vector.shape_cast %get3A_4 : vector<1600xi32> to vector<1x1600xi32>
    %mul3A = arith.constant 40503 : i32
    %mul3A_5 = vector.broadcast %mul3A : i32 to vector<1x1600xi32>
    %mul3A_6 = arith.muli %reshape3A, %mul3A_5 : vector<1x1600xi32>
    %mul3A_7 = arith.constant -2048144777 : i32
    %mul3A_8 = vector.broadcast %mul3A_7 : i32 to vector<1x1600xi32>
    %mul3A_9 = arith.muli %broadcast_in_dim3A, %mul3A_8 : vector<1x1600xi32>
    %add3A = arith.addi %mul3A_6, %mul3A_9 : vector<1x1600xi32>
    %add3A_10 = arith.constant -1028477379 : i32
    %add3A_11 = vector.broadcast %add3A_10 : i32 to vector<1x1600xi32>
    %add3A_12 = arith.addi %add3A, %add3A_11 : vector<1x1600xi32>
    %shift_right_logical3A = arith.constant 15 : i32
    %shift_right_logical3A_13 = vector.broadcast %shift_right_logical3A : i32 to vector<1x1600xi32>
    %shift_right_logical3A_14 = arith.shrui %add3A_12, %shift_right_logical3A_13 : vector<1x1600xi32>
    %xor3A = arith.xori %add3A_12, %shift_right_logical3A_14 : vector<1x1600xi32>
    %xor3A_15 = arith.constant -2147483648 : i32
    %xor3A_16 = vector.broadcast %xor3A_15 : i32 to vector<1x1600xi32>
    %xor3A_17 = arith.xori %xor3A, %xor3A_16 : vector<1x1600xi32>
    %transpose3A = tpu.transpose %xor3A_17, [1, 0] : vector<1x1600xi32> -> vector<1600x1xi32>
    %iota3A = tpu.iota {dimensions = array<i32: 0>} : vector<1600x1600xi32>
    %iota3A_18 = tpu.iota {dimensions = array<i32: 1>} : vector<1600x1600xi32>
    %eq3A = vector.broadcast %transpose3A : vector<1600x1xi32> to vector<1600x1600xi32>
    %eq3A_19 = vector.broadcast %xor3A_17 : vector<1x1600xi32> to vector<1600x1600xi32>
    %eq3A_20 = arith.cmpi eq, %eq3A, %eq3A_19 : vector<1600x1600xi32>
    %lt3A = arith.cmpi slt, %iota3A, %iota3A_18 : vector<1600x1600xi32>
    %and3A = arith.andi %eq3A_20, %lt3A : vector<1600x1600xi1>
    %convert_element_type3A = arith.extui %and3A : vector<1600x1600xi1> to vector<1600x1600xi32>
    %reduce_sum3A_21 = arith.constant dense<0> : vector<1600xi32>
    %reduce_sum3A_22 = vector.multi_reduction <add>, %convert_element_type3A, %reduce_sum3A_21 [0] : vector<1600x1600xi32> to vector<1600xi32>
    %broadcast_in_dim3A_23 = vector.shape_cast %reduce_sum3A_22 : vector<1600xi32> to vector<1x1600xi32>
    %eq3A_24 = arith.constant 0 : i32
    %eq3A_25 = vector.broadcast %eq3A_24 : i32 to vector<1x1600xi32>
    %eq3A_26 = arith.cmpi eq, %broadcast_in_dim3A_23, %eq3A_25 : vector<1x1600xi32>
    %jit3A = arith.constant 1 : i32
    %jit3A_27 = arith.constant 0 : i32
    %broadcast_in_dim3A_28 = vector.broadcast %jit3A : i32 to vector<1x1600xi32>
    %broadcast_in_dim3A_29 = vector.broadcast %jit3A_27 : i32 to vector<1x1600xi32>
    %select_n3A = arith.select %eq3A_26, %broadcast_in_dim3A_28, %broadcast_in_dim3A_29 : vector<1x1600xi1>, vector<1x1600xi32>
    %transpose3A_30 = tpu.transpose %select_n3A, [1, 0] : vector<1x1600xi32> -> vector<1600x1xi32>
    %lt3A_31 = vector.broadcast %transpose3A : vector<1600x1xi32> to vector<1600x1600xi32>
    %lt3A_32 = vector.broadcast %xor3A_17 : vector<1x1600xi32> to vector<1600x1600xi32>
    %lt3A_33 = arith.cmpi slt, %lt3A_31, %lt3A_32 : vector<1600x1600xi32>
    %gt3A = arith.constant 0 : i32
    %gt3A_34 = vector.broadcast %gt3A : i32 to vector<1600x1xi32>
    %gt3A_35 = arith.cmpi sgt, %transpose3A_30, %gt3A_34 : vector<1600x1xi32>
    %and3A_36 = vector.broadcast %gt3A_35 : vector<1600x1xi1> to vector<1600x1600xi1>
    %and3A_37 = arith.andi %lt3A_33, %and3A_36 : vector<1600x1600xi1>
    %convert_element_type3A_38 = arith.extui %and3A_37 : vector<1600x1600xi1> to vector<1600x1600xi32>
    %reduce_sum3A_39 = arith.constant dense<0> : vector<1600xi32>
    %reduce_sum3A_40 = vector.multi_reduction <add>, %convert_element_type3A_38, %reduce_sum3A_39 [0] : vector<1600x1600xi32> to vector<1600xi32>
    %swap3A = arith.constant 0 : index
    %swap3A_41 = vector.load %arg2[%swap3A] : memref<1600xi32, #tpu.memory_space<vmem>>, vector<1600xi32>
    tpu.vector_store %arg2[%swap3A], %reduce_sum3A_40 {strides = array<i32>} : memref<1600xi32, #tpu.memory_space<vmem>>, vector<1600xi32>,
    %add3A_42 = arith.constant 1 : i32
    %add3A_43 = vector.broadcast %add3A_42 : i32 to vector<1600xi32>
    %add3A_44 = arith.addi %reduce_sum3A_40, %add3A_43 : vector<1600xi32>
    %mul3A_45 = arith.constant -1640531535 : i32
    %mul3A_46 = vector.broadcast %mul3A_45 : i32 to vector<1600xi32>
    %mul3A_47 = arith.muli %add3A_44, %mul3A_46 : vector<1600xi32>
    %swap3A_48 = arith.constant 0 : index
    %swap3A_49 = vector.load %arg3[%swap3A_48] : memref<1600xi32, #tpu.memory_space<vmem>>, vector<1600xi32>
    tpu.vector_store %arg3[%swap3A_48], %mul3A_47 {strides = array<i32>} : memref<1600xi32, #tpu.memory_space<vmem>>, vector<1600xi32>,
    return
  }
}

</mosaic_0001>

<sc_bundles>
// kernel: kernel.10.cloned.1.call-start
scs
__scs_entry_jumppad:
0x0: {  	(pc) =	sbr.rel $0x88, $3  }
0x1: {  	(tag) =	ssettag $0x0;
	lr =	simm.s32 $0x1  }
0x2: {  	[smem:$0x3F9F] =	sst lr;
	_ =	strace $0xD0000000  }
0x3: {  	_ = 	snop  }
0x4: {  	_ = 	snop  }
0x5: {  	_ = 	snop  }
0x6: {  	_ = 	snop  }
0x7: {  	_ = 	snop  }
__scs_overlays_trampoline_lowered:
0x8: {  	[smem:$0x3FAE] =	sst s0  }
0x9: {  	[smem:$0x3FAF] =	sst s1  }
0xa: {  	[smem:$0x3FB0] =	sst s2  }
0xb: {  	[smem:$0x3FB1] =	sst s3  }
0xc: {  	[smem:$0x3FB2] =	sst s4  }
0xd: {  	[smem:$0x3FB3] =	sst s5  }
0xe: {  	[smem:$0x3FB4] =	sst s6  }
0xf: {  	[smem:$0x3FB5] =	sst s7  }
0x10: {  	[smem:$0x3FB6] =	sst s8  }
0x11: {  	[smem:$0x3FB7] =	sst s9;
	s0 =	simm.s32 @!p0 $0x0  }
0x12: {  	s1 =	sld [smem:$0x3F9D];
	s0 =	simm.s32 @p0 $0x1  }
0x13: {  	[smem:$0x3FB8] =	sst s0;
	s0 =	simm.s32 @!p1 $0x0  }
0x14: {  	s2 =	sld [smem:$0x3F9C];
	s0 =	simm.s32 @p1 $0x1  }
0x15: {  	[smem:$0x3FB9] =	sst s0;
	s0 =	simm.s32 @!p2 $0x0  }
0x16: {  	s3 =	sld [smem:$0x3FDB];
	s0 =	simm.s32 @p2 $0x1  }
0x17: {  	s4 =	simm.s32 $0x1BF5;
	[smem:$0x3FBB] =	sst s0  }
0x18: {  	s0 =	sld [smem:$0x3F9E];
	_ =	swait.ge [sflag:s4], $0x0  }
0x19: {  	s7 =	sld [smem:$0x3F9F]  }
0x1a: {  	s8 =	sadd.s32 $0xFFFFE003, lr  }
0x1b: {  	s9 =	sadd.s32 $0xFFFFFEF7, lr;
	s5 =	simm.s32 $0xFFFFFFFF;
	p2 =	slt.u32 s8, $0xFFFFF086  }
0x1c: {  	p1 =	slt.u32 s9, $0xF7A;
	s5 =	simm.s32 @!p2 $0x0  }
0x1d: {  	s5 =	simm.s32 @p1 $0x1;
	p0 =	seq.s32 s7, s2  }
0x1e: {  	s7 =	smul.u32 @!p0 $0xF7A, s2;
	p2 =	seq.s32 @!p0 s5, $0x0  }
0x1f: {  	s9 =	smul.u32 $0xF7A, s1;
	s8 =	simm.s32 @!p0 $0x1BF5;
	p2 =	por !p2, p0  }
0x20: {  	[sflag:s8] =	ssyncset.s32 @!p0 $0xFFFFF086;
	s6 =	sadd.s32 @!p0 s3, s7;
	s7 =	simm.s32 @!p0 $0x108  }
0x21: {  	s3 =	sadd.s32 s3, s9;
	s6 =	sadd.s32 @!p0 $0x88, s6;
	s7 =	simm.s32 @p2 $0x1082  }
0x22: {  	[simem:s7], [sflag:s8] =	dma.local @!p0 [hbm:s6], $0xF7A  }
0x23: {  	s9 =	sor.u32 $0xD0000000, s2;
	s6 =	simm.s32 $0x108;
	_ =	swait.ge @!p0 [sflag:s8], $0x0  }
0x24: {  	s3 =	sadd.s32 $0x88, s3;
	s6 =	simm.s32 @!p1 $0x1082;
	[sflag:s4] =	ssyncset.s32 $0xFFFFF086  }
0x25: {  	[simem:s6], [sflag:s4] =	dma.local [hbm:s3], $0xF7A  }
0x26: {  	[smem:$0x3F9F] =	sst s1;
	(tag) =	ssettag s2;
	_ =	strace s9  }
0x27: {  	s1 =	sld [smem:$0x3FAF]  }
0x28: {  	s2 =	sld [smem:$0x3FB0]  }
0x29: {  	s4 =	sld [smem:$0x3FB2]  }
0x2a: {  	p0 =	seq.s32 s5, $0x0;
	s5 =	sld [smem:$0x3FB3]  }
0x2b: {  	s6 =	sld [smem:$0x3FB4]  }
0x2c: {  	s7 =	sld [smem:$0x3FB5]  }
0x2d: {  	s3 =	simm.s32 $0x108;
	s8 =	sld [smem:$0x3FB6]  }
0x2e: {  	s3 =	simm.s32 @!p0 $0x1082;
	s9 =	sld [smem:$0x3FB7]  }
0x2f: {  	lr =	sadd.s32 s0, s3;
	s0 =	sld [smem:$0x3FAE]  }
0x30: {  	s3 =	sld [smem:$0x3FB1]  }
0x31: {  	[smem:$0x3FBA] =	sst s10  }
0x32: {  	s10 =	sld [smem:$0x3FB8];
	_ =	sdelay $0x3  }
0x33: {  	p0 =	seq.s32 s10, $0x1;
	s10 =	sld [smem:$0x3FBA];
	_ =	sdelay $0x3  }
0x34: {  	[smem:$0x3FBA] =	sst s10  }
0x35: {  	s10 =	sld [smem:$0x3FB9];
	_ =	sdelay $0x3  }
0x36: {  	p1 =	seq.s32 s10, $0x1;
	s10 =	sld [smem:$0x3FBA];
	_ =	sdelay $0x3  }
0x37: {  	[smem:$0x3FBA] =	sst s10  }
0x38: {  	s10 =	sld [smem:$0x3FBB]  }
0x39: {  	_ = 	snop;
	(pc) =	sbr.ind lr, $3  }
0x3a: {  	_ = 	snop  }
0x3b: {  	_ = 	snop  }
0x3c: {  	p2 =	seq.s32 s10, $0x1;
	s10 =	sld [smem:$0x3FBA]  }
0x3d: {  	_ =	shalt  }
0x3e: {  	_ =	shalt  }
0x3f: {  	_ =	shalt  }
0x40: {  	_ =	shalt  }
0x41: {  	_ =	shalt  }
0x42: {  	_ =	shalt  }
0x43: {  	_ =	shalt  }
0x44: {  	_ =	shalt  }
0x45: {  	_ =	shalt  }
0x46: {  	_ =	shalt  }
0x47: {  	_ =	shalt  }
0x48: {  	_ =	shalt  }
0x49: {  	_ =	shalt  }
0x4a: {  	_ =	shalt  }
0x4b: {  	_ =	shalt  }
0x4c: {  	_ =	shalt  }
0x4d: {  	_ =	shalt  }
0x4e: {  	_ =	shalt  }
0x4f: {  	_ =	shalt  }
0x50: {  	_ =	shalt  }
0x51: {  	_ =	shalt  }
0x52: {  	_ =	shalt  }
0x53: {  	_ =	shalt  }
0x54: {  	_ =	shalt  }
0x55: {  	_ =	shalt  }
0x56: {  	_ =	shalt  }
0x57: {  	_ =	shalt  }
0x58: {  	_ =	shalt  }
0x59: {  	_ =	shalt  }
0x5a: {  	_ =	shalt  }
0x5b: {  	_ =	shalt  }
0x5c: {  	_ =	shalt  }
0x5d: {  	_ =	shalt  }
0x5e: {  	_ =	shalt  }
0x5f: {  	_ =	shalt  }
0x60: {  	_ =	shalt  }
0x61: {  	_ =	shalt  }
0x62: {  	_ =	shalt  }
0x63: {  	_ =	shalt  }
0x64: {  	_ =	shalt  }
0x65: {  	_ =	shalt  }
0x66: {  	_ =	shalt  }
0x67: {  	_ =	shalt  }
0x68: {  	_ =	shalt  }
0x69: {  	_ =	shalt  }
0x6a: {  	_ =	shalt  }
0x6b: {  	_ =	shalt  }
0x6c: {  	_ =	shalt  }
0x6d: {  	_ =	shalt  }
0x6e: {  	_ =	shalt  }
0x6f: {  	_ =	shalt  }
0x70: {  	_ =	shalt  }
0x71: {  	_ =	shalt  }
0x72: {  	_ =	shalt  }
0x73: {  	_ =	shalt  }
0x74: {  	_ =	shalt  }
0x75: {  	_ =	shalt  }
0x76: {  	_ =	shalt  }
0x77: {  	_ =	shalt  }
0x78: {  	_ =	shalt  }
0x79: {  	_ =	shalt  }
0x7a: {  	_ =	shalt  }
0x7b: {  	_ =	shalt  }
0x7c: {  	_ =	shalt  }
0x7d: {  	_ =	shalt  }
0x7e: {  	_ =	shalt  }
0x7f: {  	_ =	shalt  }
0x80: {  	_ =	shalt  }
0x81: {  	_ =	shalt  }
0x82: {  	_ =	shalt  }
0x83: {  	_ =	shalt  }
0x84: {  	_ =	shalt  }
0x85: {  	_ =	shalt  }
0x86: {  	_ =	shalt  }
0x87: {  	_ =	shalt  }
.Lfunc_end0:
.L_simem_size_0:
called_computation.1_lowered:
.L_overlay_start_0:
0x88: {  	s2 =	sld [smem:$0x3FD9]  }
0x89: {  	s3 =	sld [smem:$0x3FFE];
	_ =	sdelay $0x1  }
0x8a: {  	s1 =	srdreg.scid  }
0x8b: {  	s0 =	sand.u32 $0x1, s1  }
0x8c: {  	s17 =	sshll.u32 s0, $0xA;
	s2 =	sadd.s32 s3, s2  }
0x8d: {  	s2 =	sadd.s32 s2, s17  }
0x8e: {  	[smem:$0x3FC6] =	sst s2  }
0x8f: {  	_ = 	snop  }
0x90: {  	s2 =	sld [smem:$0x3FD0];
	(tm) =	ssettm $0x1  }
0x91: {  	s18 =	sld [smem:$0x3FFB];
	_ =	sdelay $0x3  }
0x92: {  	_ =	strace s18  }
0x93: {  	s3 =	sld [smem:$0x3FFC];
	_ =	sdelay $0x3  }
0x94: {  	_ =	strace s3  }
0x95: {  	s3 =	sld [smem:$0x3FFD];
	_ =	sdelay $0x3  }
0x96: {  	_ =	strace s3  }
0x97: {  	_ =	strace $0x8FFFFFFF  }
0x98: {  	s19 =	sld [smem:$0x3FDB];
	_ =	sdelay $0x1  }
0x99: {  	s4 =	simm.s32 $_scs_section_size  }
0x9a: {  	s5 =	simm.s32 $_size__tile_overlayer_lowered;
	s6 =	simm.s32 $_tile_overlayer_lowered  }
0x9b: {  	s22 =	simm.s32 $0x1BFF;
	s21 =	sshll.u32 s6, $0x1;
	s3 =	sadd.s32 s4, s19  }
0x9c: {  	s7 =	simm.s32 $0x0;
	s20 =	sshll.u32 s5, $0x1;
	s5 =	sadd.s32 s21, s3  }
0x9d: {  	[timem:s7], [sflag:s22] =	dma.local [hbm:s5], s20  }
0x9e: {  	_ =	swait.ge [sflag:s22], s20  }
0x9f: {  	s4 =	ssub.s32 $0x0, s20;
	[sflag:s22] =	ssyncset.done $0x0  }
0xa0: {  	[sflag:s22] =	ssyncadd.s32 s4;
	_ =	sdelay $0x1  }
0xa1: {  	s23 =	simm.s32 $0x1B8B  }
0xa2: {  	_ =	swait.ge [sflag:s23], $0x1  }
0xa3: {  	[sflag:s23] =	ssyncset.done $0x0  }
0xa4: {  	s25 =	simm.s32 $0x1B8E;
	s24 =	sld [smem:$0x3FFE];
	[sflag:s23] =	ssyncadd.s32 $0xFFFFFFFF  }
0xa5: {  	s26 =	simm.s32 $execute0_lowered;
	[smem:$0x3FD2] =	sst s25  }
0xa6: {  	s5 =	sshll.u32 s26, $0x1;
	_ =	strace $0x80000049;
	[dreg:$0x1] =	wrdreg $0xFFFFFFFF  }
0xa7: {  	s28 =	simm.s32 $_size_execute0_lowered;
	s3 =	sadd.s32 s3, s5;
	[dreg:$0x0] =	wrdreg $0x0  }
0xa8: {  	s5 =	sshll.u32 s28, $0x1;
	[dreg:$0x2] =	wrdreg s3  }
0xa9: {  	[dreg:$0x3] =	wrdreg s5  }
0xaa: {  	[dreg:$0x4] =	wrdreg $0xC0  }
0xab: {  	_ =	task [dreg:s7], $0x5FFFF  }
0xac: {  	[dreg:$0x1] =	wrdreg $0xFFFFFFFF  }
0xad: {  	[dreg:$0x0] =	wrdreg $0x60  }
0xae: {  	[dreg:$0x2] =	wrdreg s2  }
0xaf: {  	[dreg:$0x3] =	wrdreg s24  }
0xb0: {  	[dreg:$0x4] =	wrdreg $0x9  }
0xb1: {  	_ =	task.clear_ibuf [dreg:s7], $0x5FFFF;
	_ =	strace $0x90000049  }
0xb2: {  	s29 =	simm.s32 $0x9;
	_ =	strace $0x8000004B  }
0xb3: {  	_ =	swait.ge [sflag:s29], $0x1  }
0xb4: {  	[sflag:s29] =	ssyncadd.s32 $0xFFFFFFFF  }
0xb5: {  	_ =	strace $0x9000004B  }
0xb6: {  	_ =	sfence  }
0xb7: {  	s30 =	sld [smem:$0x0];
	_ =	sdelay $0x2  }
0xb8: {  	s31 =	sshll.u32 s1, $0xD;
	s1 =	sshrl.u32 s1, $0x2  }
0xb9: {  	s3 =	sand.u32 $0x4000, s31;
	s1 =	sadd.s32 s1, s30  }
0xba: {  	s0 =	sor.u32 s3, s0;
	s1 =	sshll.u32 s1, $0x11  }
0xbb: {  	s0 =	sor.u32 s1, s0  }
0xbc: {  	s0 =	sadd.s32 $0x8F2B, s0  }
0xbd: {  	[sflag:s0] =	ssyncadd.remote.s32 $0x1  }
0xbe: {  	_ =	sfence.sel $0xFFFF  }
0xbf: {  	[dreg:$0x0] =	wrdreg $0xFFFFFFFF;
	(pc) =	sbr.abs _section_cstart, $3  }
0xc0: {  	[dreg:$0x1] =	wrdreg $0xFFFFFFFF  }
0xc1: {  	_ =	task.clear_ibuf [dreg:s7], $0x2FFFF;
	_ =	strace $0x9FFFFFFF  }
0xc2: {  	(tm) =	ssettm $0x7FFFFFFF  }
0xc3: {  	_ =	shalt  }
tec
execute0_lowered:
.L_overlay_start_1:
0x0: {  	(tag) =	ssettag $0x1  }
0x1: {  	s1 =	srdreg.scid;
	s2 =	rddreg [dreg:$0x0]  }
0x2: {  	s0 =	stileid.u32;
	s6 =	rddreg [dreg:$0x1]  }
0x3: {  	s3 =	simm.s32 $0x0;
	s9 =	simm.s32 $0x680;
	s10 =	simm.s32 $0x1  }
0x4: {  	s11 =	simm.s32 $0x3;
	s12 =	simm.s32 $0x2;
	s13 =	simm.s32 $0x1F80  }
0x5: {  	s14 =	simm.s32 $0x80;
	s15 =	simm.s32 $0x400;
	s16 =	simm.s32 $0x4  }
0x6: {  	s17 =	simm.s32 $0x0;
	s4 =	sand.u32 $0x1, s1;
	s29 =	sshll.u32 s0, $0x1  }
0x7: {  	s30 =	sshrl.u32 s0, $0x2;
	s1 =	rddreg [dreg:$0x2];
	s5 =	sor.u32 s4, s29  }
0x8: {  	[smem:$0x7FF] =	sst s3;
	s7 =	smul.u32 $0x3400, s30;
	s8 =	sshll.u32 s5, $0x7  }
0x9: {  	s4 =	ssub.s32 $0x2, s4;
	s5 =	smul.u32 $0x190, s5;
	s8 =	sand.u32 $0x380, s8  }
0xa: {  	_ =	strace $0x8000004A;
	s31 =	sshrl.u32 s4, $0x1;
	s7 =	sor.u32 s7, s8  }
0xb: {  	s5 =	sadd.s32 s5, s6;
	s8 =	simm.s32 $0x1300;
	s7 =	sshrl.u32 s7, $0x3  }
0xc: {  	s6 =	sadd.s32 s7, s6;
	s7 =	ssub.s32 s4, s31;
	s4 =	sadd.s32 $0x1A00, s5  }
0xd: {  	v0 =	vimm.s32 $0x0;
	s5 =	sadd.s32 $0x4C00, s5;
	s6 =	sadd.s32 $0x7E00, s6;
	s7 =	smax.u32 s7, $0x1  }
.LBB2_1:
0xe: {  	[tilespmem:s3], [sflag:$0x1] =	stream.linear.gather [hbm4b:s2+s3], $0x680, $0x38;
	[tilespmem:$0x2600] =	vst v63  }
0xf: {  	_ = 	snop  }
0x10: {  	[tilespmem:s8], [sflag:$0x3] =	stream.linear.gather [hbm4b:s4+s3], $0xC80, $0x38;
	[tilespmem:$0x2600] =	vst v63  }
0x11: {  	s18 =	simm.s32 $0x40;
	s19 =	simm.s32 $0x0  }
0x12: {  	[tilespmem:s9], [sflag:$0x2] =	stream.linear.gather [hbm4b:s5+s3], $0xC80, $0x38;
	[tilespmem:$0x2600] =	vst v63  }
.LBB2_2:
0x13: {  	p0 =	sne.s32 s18, $0x18C0;
	[tilespmem:s19+$0x1F80] =	vst v0;
	s19 =	smov.u32 s18;
	s18 =	sadd.s32 $0x40, s18  }
.Ltmp0:
0x14: {  	(pc) =	sbr.rel @p0 .LBB2_2-.Ltmp0, $2  }
0x15: {  	_ =	sdelay $0x2  }
0x16: {  	s19 =	sshra.s32 s19, $0x2  }
0x17: {  	[tilespmem:s19+$0x1F80] =	vst v0  }
0x18: {  	_ =	swait.ge [sflag:s10], $0x680  }
0x19: {  	[sflag:s10] =	ssyncset.done $0x0  }
0x1a: {  	[sflag:s10] =	ssyncadd.s32 $0xFFFFF980  }
0x1b: {  	_ =	swait.ge [sflag:s11], $0xC80  }
0x1c: {  	[sflag:s11] =	ssyncset.done $0x0  }
0x1d: {  	[sflag:s11] =	ssyncadd.s32 $0xFFFFF380  }
0x1e: {  	_ =	swait.ge [sflag:s12], $0xC80  }
0x1f: {  	[sflag:s12] =	ssyncset.done $0x0  }
0x20: {  	s18 =	simm.s32 $0x0;
	[sflag:s12] =	ssyncadd.s32 $0xFFFFF380  }
0x21: {  	v1 =	vld [tilespmem:s18+$0x1370]  }
0x22: {  	v3 =	vld [tilespmem:s18+$0x1340]  }
0x23: {  	v4 =	vld [tilespmem:s18+$0x1310]  }
0x24: {  	v2 =	vld [tilespmem:s18+$0x6F0]  }
0x25: {  	v5 =	vld [tilespmem:s18+$0x6E0]  }
0x26: {  	v6 =	vld [tilespmem:s18+$0x1330]  }
0x27: {  	v7 =	vld [tilespmem:s18+$0x6C0]  }
0x28: {  	v8 =	vld [tilespmem:s18+$0x6A0]  }
0x29: {  	v9 =	vld [tilespmem:s18+$0x6B0]  }
0x2a: {  	v10 =	vld [tilespmem:s18+$0x690]  }
0x2b: {  	v11 =	vld [tilespmem:s18+$0x680]  }
0x2c: {  	v12 =	vld [tilespmem:s18+$0x1300]  }
0x2d: {  	v13 =	vld [tilespmem:s18+$0x1360]  }
0x2e: {  	v14 =	vld [tilespmem:s18+$0x6D0]  }
0x2f: {  	v15 =	vld [tilespmem:s18+$0x1320]  }
0x30: {  	v16 =	vld [tilespmem:s18+$0x1350]  }
0x31: {  	v8 =	vld.idx.msk [tilespmem:v8+s3+$0x0], $0xffff  }
0x32: {  	v9 =	vld.idx.msk [tilespmem:v9+s3+$0x0], $0xffff  }
0x33: {  	v10 =	vld.idx.msk [tilespmem:v10+s3+$0x0], $0xffff  }
0x34: {  	v11 =	vld.idx.msk [tilespmem:v11+s3+$0x0], $0xffff  }
0x35: {  	v5 =	vld.idx.msk [tilespmem:v5+s3+$0x0], $0xffff  }
0x36: {  	v7 =	vld.idx.msk [tilespmem:v7+s3+$0x0], $0xffff  }
0x37: {  	v14 =	vld.idx.msk [tilespmem:v14+s3+$0x0], $0xffff  }
0x38: {  	v2 =	vld.idx.msk [tilespmem:v2+s3+$0x0], $0xffff  }
0x39: {  	[tilespmem:v12+s13+$0x0] =	vst.idx.add.s32.msk $0xffff, v11  }
0x3a: {  	[tilespmem:v4+s13+$0x0] =	vst.idx.add.s32.msk $0xffff, v10  }
0x3b: {  	[tilespmem:v15+s13+$0x0] =	vst.idx.add.s32.msk $0xffff, v8  }
0x3c: {  	[tilespmem:v6+s13+$0x0] =	vst.idx.add.s32.msk $0xffff, v9  }
0x3d: {  	[tilespmem:v3+s13+$0x0] =	vst.idx.add.s32.msk $0xffff, v7  }
0x3e: {  	[tilespmem:v16+s13+$0x0] =	vst.idx.add.s32.msk $0xffff, v14  }
0x3f: {  	s18 =	simm.s32 $0x200;
	[tilespmem:v13+s13+$0x0] =	vst.idx.add.s32.msk $0xffff, v5  }
.LBB2_4:
0x40: {  	s19 =	sshra.s32 s18, $0x2;
	p0 =	sne.s32 s18, $0x3000;
	s18 =	sadd.s32 $0x200, s18;
	[tilespmem:v1+s13+$0x0] =	vst.idx.add.s32.msk $0xffff, v2  }
0x41: {  	v1 =	vld [tilespmem:s19+$0x1370]  }
0x42: {  	v3 =	vld [tilespmem:s19+$0x1340]  }
0x43: {  	v4 =	vld [tilespmem:s19+$0x1310]  }
0x44: {  	v2 =	vld [tilespmem:s19+$0x6F0]  }
0x45: {  	v5 =	vld [tilespmem:s19+$0x6E0]  }
0x46: {  	v6 =	vld [tilespmem:s19+$0x1330]  }
0x47: {  	v7 =	vld [tilespmem:s19+$0x6C0]  }
0x48: {  	v8 =	vld [tilespmem:s19+$0x6A0]  }
0x49: {  	v9 =	vld [tilespmem:s19+$0x6B0]  }
0x4a: {  	v10 =	vld [tilespmem:s19+$0x690]  }
0x4b: {  	v11 =	vld [tilespmem:s19+$0x680]  }
0x4c: {  	v12 =	vld [tilespmem:s19+$0x1300]  }
0x4d: {  	v13 =	vld [tilespmem:s19+$0x1360]  }
0x4e: {  	v14 =	vld [tilespmem:s19+$0x6D0]  }
0x4f: {  	v15 =	vld [tilespmem:s19+$0x1320]  }
0x50: {  	v8 =	vld.idx.msk [tilespmem:v8+s3+$0x0], $0xffff  }
0x51: {  	v9 =	vld.idx.msk [tilespmem:v9+s3+$0x0], $0xffff  }
0x52: {  	v10 =	vld.idx.msk [tilespmem:v10+s3+$0x0], $0xffff  }
0x53: {  	v11 =	vld.idx.msk [tilespmem:v11+s3+$0x0], $0xffff  }
0x54: {  	v5 =	vld.idx.msk [tilespmem:v5+s3+$0x0], $0xffff  }
0x55: {  	v16 =	vld [tilespmem:s19+$0x1350]  }
0x56: {  	v7 =	vld.idx.msk [tilespmem:v7+s3+$0x0], $0xffff  }
0x57: {  	v14 =	vld.idx.msk [tilespmem:v14+s3+$0x0], $0xffff  }
0x58: {  	v2 =	vld.idx.msk [tilespmem:v2+s3+$0x0], $0xffff  }
0x59: {  	[tilespmem:v12+s13+$0x0] =	vst.idx.add.s32.msk $0xffff, v11  }
0x5a: {  	[tilespmem:v4+s13+$0x0] =	vst.idx.add.s32.msk $0xffff, v10  }
.Ltmp1:
0x5b: {  	[tilespmem:v15+s13+$0x0] =	vst.idx.add.s32.msk $0xffff, v8;
	(pc) =	sbr.rel @p0 .LBB2_4-.Ltmp1, $4  }
0x5c: {  	[tilespmem:v6+s13+$0x0] =	vst.idx.add.s32.msk $0xffff, v9  }
0x5d: {  	[tilespmem:v3+s13+$0x0] =	vst.idx.add.s32.msk $0xffff, v7  }
0x5e: {  	[tilespmem:v16+s13+$0x0] =	vst.idx.add.s32.msk $0xffff, v14  }
0x5f: {  	[tilespmem:v13+s13+$0x0] =	vst.idx.add.s32.msk $0xffff, v5  }
0x60: {  	_ =	sdelay $0x1  }
0x61: {  	s17 =	sadd.s32 $0x1, s17  }
0x62: {  	p0 =	sne.s32 s17, s7  }
.Ltmp2:
0x63: {  	[tilespmem:v1+s13+$0x0] =	vst.idx.add.s32.msk $0xffff, v2;
	(pc) =	sbr.rel @p0 .LBB2_1-.Ltmp2, $4  }
0x64: {  	[hbm4b:s6+s14] =	stream.strided.scatter [tilespmem:s13], [sflag:$0x4], $0x680, s15, s14, $0x38;
	[tilespmem:$0x2600] =	vst v63  }
0x65: {  	_ =	swait.ge [sflag:s16], $0x680  }
0x66: {  	[sflag:s16] =	ssyncset.done $0x0  }
0x67: {  	[sflag:s16] =	ssyncadd.s32 $0xFFFFF980  }
0x68: {  	_ =	sfence.sel $0x180000  }
0x69: {  	[bflag:$0x0] =	sbarrier.arrive $0xFFFF  }
0x6a: {  	p0 =	sne.s32 s0, $0x0;
	_ =	strace $0x9000004A  }
0x6b: {  	s0 =	sadd.s32 @!p0 $0x100000, s1;
	[bflag:$0x2] =	sbarrier.arrive $0xFFFF  }
0x6c: {  	[sflag:s0] =	ssyncadd.tile.s32 @!p0 $0x1;
	_ =	shalt  }
.Lfunc_end2:
_tile_overlayer_lowered:
.L_overlay_start_2:
0x6d: {  	(tag) =	ssettag $0x2  }
0x6e: {  	s0 =	rddreg [dreg:$0x0];
	s2 =	stileid.u32  }
0x6f: {  	s1 =	rddreg [dreg:$0x1];
	p0 =	sne.s32 s2, $0x0  }
0x70: {  	s3 =	rddreg [dreg:$0x2];
	[bflag:$0x3] =	sbarrier.arrive $0xFFFF;
	s2 =	simm.s32 @!p0 $0x1C04  }
0x71: {  	[timem:s3], [sflag:s2] =	dma.local @!p0 [hbm:s0], s1  }
0x72: {  	s0 =	simm.s32 @!p0 $0x4  }
0x73: {  	_ =	swait.ge @!p0 [sflag:s0], s1  }
0x74: {  	s1 =	ssub.s32 @!p0 $0x0, s1;
	[sflag:s0] =	ssyncset.done @!p0 $0x0  }
0x75: {  	[sflag:s0] =	ssyncadd.s32 @!p0 s1  }
0x76: {  	[bflag:$0x3] =	sbarrier.arrive $0xFFFF  }
0x77: {  	_ =	shalt  }

// kernel: kernel.7.cloned.1.call-start
scs
__scs_entry_jumppad:
0x0: {  	(pc) =	sbr.rel $0x88, $3  }
0x1: {  	(tag) =	ssettag $0x0;
	lr =	simm.s32 $0x1  }
0x2: {  	[smem:$0x3F9F] =	sst lr;
	_ =	strace $0xD0000000  }
0x3: {  	_ = 	snop  }
0x4: {  	_ = 	snop  }
0x5: {  	_ = 	snop  }
0x6: {  	_ = 	snop  }
0x7: {  	_ = 	snop  }
__scs_overlays_trampoline_lowered:
0x8: {  	[smem:$0x3FAE] =	sst s0  }
0x9: {  	[smem:$0x3FAF] =	sst s1  }
0xa: {  	[smem:$0x3FB0] =	sst s2  }
0xb: {  	[smem:$0x3FB1] =	sst s3  }
0xc: {  	[smem:$0x3FB2] =	sst s4  }
0xd: {  	[smem:$0x3FB3] =	sst s5  }
0xe: {  	[smem:$0x3FB4] =	sst s6  }
0xf: {  	[smem:$0x3FB5] =	sst s7  }
0x10: {  	[smem:$0x3FB6] =	sst s8  }
0x11: {  	[smem:$0x3FB7] =	sst s9;
	s0 =	simm.s32 @!p0 $0x0  }
0x12: {  	s1 =	sld [smem:$0x3F9D];
	s0 =	simm.s32 @p0 $0x1  }
0x13: {  	[smem:$0x3FB8] =	sst s0;
	s0 =	simm.s32 @!p1 $0x0  }
0x14: {  	s2 =	sld [smem:$0x3F9C];
	s0 =	simm.s32 @p1 $0x1  }
0x15: {  	[smem:$0x3FB9] =	sst s0;
	s0 =	simm.s32 @!p2 $0x0  }
0x16: {  	s3 =	sld [smem:$0x3FDB];
	s0 =	simm.s32 @p2 $0x1  }
0x17: {  	s4 =	simm.s32 $0x1BF5;
	[smem:$0x3FBB] =	sst s0  }
0x18: {  	s0 =	sld [smem:$0x3F9E];
	_ =	swait.ge [sflag:s4], $0x0  }
0x19: {  	s7 =	sld [smem:$0x3F9F]  }
0x1a: {  	s8 =	sadd.s32 $0xFFFFE003, lr  }
0x1b: {  	s9 =	sadd.s32 $0xFFFFFEF7, lr;
	s5 =	simm.s32 $0xFFFFFFFF;
	p2 =	slt.u32 s8, $0xFFFFF086  }
0x1c: {  	p1 =	slt.u32 s9, $0xF7A;
	s5 =	simm.s32 @!p2 $0x0  }
0x1d: {  	s5 =	simm.s32 @p1 $0x1;
	p0 =	seq.s32 s7, s2  }
0x1e: {  	s7 =	smul.u32 @!p0 $0xF7A, s2;
	p2 =	seq.s32 @!p0 s5, $0x0  }
0x1f: {  	s9 =	smul.u32 $0xF7A, s1;
	s8 =	simm.s32 @!p0 $0x1BF5;
	p2 =	por !p2, p0  }
0x20: {  	[sflag:s8] =	ssyncset.s32 @!p0 $0xFFFFF086;
	s6 =	sadd.s32 @!p0 s3, s7;
	s7 =	simm.s32 @!p0 $0x108  }
0x21: {  	s3 =	sadd.s32 s3, s9;
	s6 =	sadd.s32 @!p0 $0x88, s6;
	s7 =	simm.s32 @p2 $0x1082  }
0x22: {  	[simem:s7], [sflag:s8] =	dma.local @!p0 [hbm:s6], $0xF7A  }
0x23: {  	s9 =	sor.u32 $0xD0000000, s2;
	s6 =	simm.s32 $0x108;
	_ =	swait.ge @!p0 [sflag:s8], $0x0  }
0x24: {  	s3 =	sadd.s32 $0x88, s3;
	s6 =	simm.s32 @!p1 $0x1082;
	[sflag:s4] =	ssyncset.s32 $0xFFFFF086  }
0x25: {  	[simem:s6], [sflag:s4] =	dma.local [hbm:s3], $0xF7A  }
0x26: {  	[smem:$0x3F9F] =	sst s1;
	(tag) =	ssettag s2;
	_ =	strace s9  }
0x27: {  	s1 =	sld [smem:$0x3FAF]  }
0x28: {  	s2 =	sld [smem:$0x3FB0]  }
0x29: {  	s4 =	sld [smem:$0x3FB2]  }
0x2a: {  	p0 =	seq.s32 s5, $0x0;
	s5 =	sld [smem:$0x3FB3]  }
0x2b: {  	s6 =	sld [smem:$0x3FB4]  }
0x2c: {  	s7 =	sld [smem:$0x3FB5]  }
0x2d: {  	s3 =	simm.s32 $0x108;
	s8 =	sld [smem:$0x3FB6]  }
0x2e: {  	s3 =	simm.s32 @!p0 $0x1082;
	s9 =	sld [smem:$0x3FB7]  }
0x2f: {  	lr =	sadd.s32 s0, s3;
	s0 =	sld [smem:$0x3FAE]  }
0x30: {  	s3 =	sld [smem:$0x3FB1]  }
0x31: {  	[smem:$0x3FBA] =	sst s10  }
0x32: {  	s10 =	sld [smem:$0x3FB8];
	_ =	sdelay $0x3  }
0x33: {  	p0 =	seq.s32 s10, $0x1;
	s10 =	sld [smem:$0x3FBA];
	_ =	sdelay $0x3  }
0x34: {  	[smem:$0x3FBA] =	sst s10  }
0x35: {  	s10 =	sld [smem:$0x3FB9];
	_ =	sdelay $0x3  }
0x36: {  	p1 =	seq.s32 s10, $0x1;
	s10 =	sld [smem:$0x3FBA];
	_ =	sdelay $0x3  }
0x37: {  	[smem:$0x3FBA] =	sst s10  }
0x38: {  	s10 =	sld [smem:$0x3FBB]  }
0x39: {  	_ = 	snop;
	(pc) =	sbr.ind lr, $3  }
0x3a: {  	_ = 	snop  }
0x3b: {  	_ = 	snop  }
0x3c: {  	p2 =	seq.s32 s10, $0x1;
	s10 =	sld [smem:$0x3FBA]  }
0x3d: {  	_ =	shalt  }
0x3e: {  	_ =	shalt  }
0x3f: {  	_ =	shalt  }
0x40: {  	_ =	shalt  }
0x41: {  	_ =	shalt  }
0x42: {  	_ =	shalt  }
0x43: {  	_ =	shalt  }
0x44: {  	_ =	shalt  }
0x45: {  	_ =	shalt  }
0x46: {  	_ =	shalt  }
0x47: {  	_ =	shalt  }
0x48: {  	_ =	shalt  }
0x49: {  	_ =	shalt  }
0x4a: {  	_ =	shalt  }
0x4b: {  	_ =	shalt  }
0x4c: {  	_ =	shalt  }
0x4d: {  	_ =	shalt  }
0x4e: {  	_ =	shalt  }
0x4f: {  	_ =	shalt  }
0x50: {  	_ =	shalt  }
0x51: {  	_ =	shalt  }
0x52: {  	_ =	shalt  }
0x53: {  	_ =	shalt  }
0x54: {  	_ =	shalt  }
0x55: {  	_ =	shalt  }
0x56: {  	_ =	shalt  }
0x57: {  	_ =	shalt  }
0x58: {  	_ =	shalt  }
0x59: {  	_ =	shalt  }
0x5a: {  	_ =	shalt  }
0x5b: {  	_ =	shalt  }
0x5c: {  	_ =	shalt  }
0x5d: {  	_ =	shalt  }
0x5e: {  	_ =	shalt  }
0x5f: {  	_ =	shalt  }
0x60: {  	_ =	shalt  }
0x61: {  	_ =	shalt  }
0x62: {  	_ =	shalt  }
0x63: {  	_ =	shalt  }
0x64: {  	_ =	shalt  }
0x65: {  	_ =	shalt  }
0x66: {  	_ =	shalt  }
0x67: {  	_ =	shalt  }
0x68: {  	_ =	shalt  }
0x69: {  	_ =	shalt  }
0x6a: {  	_ =	shalt  }
0x6b: {  	_ =	shalt  }
0x6c: {  	_ =	shalt  }
0x6d: {  	_ =	shalt  }
0x6e: {  	_ =	shalt  }
0x6f: {  	_ =	shalt  }
0x70: {  	_ =	shalt  }
0x71: {  	_ =	shalt  }
0x72: {  	_ =	shalt  }
0x73: {  	_ =	shalt  }
0x74: {  	_ =	shalt  }
0x75: {  	_ =	shalt  }
0x76: {  	_ =	shalt  }
0x77: {  	_ =	shalt  }
0x78: {  	_ =	shalt  }
0x79: {  	_ =	shalt  }
0x7a: {  	_ =	shalt  }
0x7b: {  	_ =	shalt  }
0x7c: {  	_ =	shalt  }
0x7d: {  	_ =	shalt  }
0x7e: {  	_ =	shalt  }
0x7f: {  	_ =	shalt  }
0x80: {  	_ =	shalt  }
0x81: {  	_ =	shalt  }
0x82: {  	_ =	shalt  }
0x83: {  	_ =	shalt  }
0x84: {  	_ =	shalt  }
0x85: {  	_ =	shalt  }
0x86: {  	_ =	shalt  }
0x87: {  	_ =	shalt  }
.Lfunc_end0:
.L_simem_size_0:
called_computation_lowered:
.L_overlay_start_0:
0x88: {  	s2 =	sld [smem:$0x3FD9]  }
0x89: {  	s3 =	sld [smem:$0x3FFE];
	_ =	sdelay $0x1  }
0x8a: {  	s1 =	srdreg.scid  }
0x8b: {  	s0 =	sand.u32 $0x1, s1  }
0x8c: {  	s17 =	sshll.u32 s0, $0xA;
	s2 =	sadd.s32 s3, s2  }
0x8d: {  	s2 =	sadd.s32 s2, s17  }
0x8e: {  	[smem:$0x3FC6] =	sst s2  }
0x8f: {  	_ = 	snop  }
0x90: {  	s2 =	sld [smem:$0x3FD0];
	(tm) =	ssettm $0x1  }
0x91: {  	s18 =	sld [smem:$0x3FFB];
	_ =	sdelay $0x3  }
0x92: {  	_ =	strace s18  }
0x93: {  	s3 =	sld [smem:$0x3FFC];
	_ =	sdelay $0x3  }
0x94: {  	_ =	strace s3  }
0x95: {  	s3 =	sld [smem:$0x3FFD];
	_ =	sdelay $0x3  }
0x96: {  	_ =	strace s3  }
0x97: {  	_ =	strace $0x8FFFFFFF  }
0x98: {  	s19 =	sld [smem:$0x3FDB];
	_ =	sdelay $0x1  }
0x99: {  	s4 =	simm.s32 $_scs_section_size  }
0x9a: {  	s5 =	simm.s32 $_size__tile_overlayer_lowered;
	s6 =	simm.s32 $_tile_overlayer_lowered  }
0x9b: {  	s22 =	simm.s32 $0x1BFF;
	s21 =	sshll.u32 s6, $0x1;
	s3 =	sadd.s32 s4, s19  }
0x9c: {  	s7 =	simm.s32 $0x0;
	s20 =	sshll.u32 s5, $0x1;
	s5 =	sadd.s32 s21, s3  }
0x9d: {  	[timem:s7], [sflag:s22] =	dma.local [hbm:s5], s20  }
0x9e: {  	_ =	swait.ge [sflag:s22], s20  }
0x9f: {  	s4 =	ssub.s32 $0x0, s20;
	[sflag:s22] =	ssyncset.done $0x0  }
0xa0: {  	[sflag:s22] =	ssyncadd.s32 s4;
	_ =	sdelay $0x1  }
0xa1: {  	s23 =	simm.s32 $0x1B8B  }
0xa2: {  	_ =	swait.ge [sflag:s23], $0x1  }
0xa3: {  	[sflag:s23] =	ssyncset.done $0x0  }
0xa4: {  	s25 =	simm.s32 $0x1B8E;
	s24 =	sld [smem:$0x3FFE];
	[sflag:s23] =	ssyncadd.s32 $0xFFFFFFFF  }
0xa5: {  	s26 =	simm.s32 $execute0_lowered;
	[smem:$0x3FD2] =	sst s25  }
0xa6: {  	s5 =	sshll.u32 s26, $0x1;
	_ =	strace $0x80000046;
	[dreg:$0x1] =	wrdreg $0xFFFFFFFF  }
0xa7: {  	s28 =	simm.s32 $_size_execute0_lowered;
	s3 =	sadd.s32 s3, s5;
	[dreg:$0x0] =	wrdreg $0x0  }
0xa8: {  	s5 =	sshll.u32 s28, $0x1;
	[dreg:$0x2] =	wrdreg s3  }
0xa9: {  	[dreg:$0x3] =	wrdreg s5  }
0xaa: {  	[dreg:$0x4] =	wrdreg $0xC0  }
0xab: {  	_ =	task [dreg:s7], $0x5FFFF  }
0xac: {  	[dreg:$0x1] =	wrdreg $0xFFFFFFFF  }
0xad: {  	[dreg:$0x0] =	wrdreg $0x60  }
0xae: {  	[dreg:$0x2] =	wrdreg s2  }
0xaf: {  	[dreg:$0x3] =	wrdreg s24  }
0xb0: {  	[dreg:$0x4] =	wrdreg $0x9  }
0xb1: {  	_ =	task.clear_ibuf [dreg:s7], $0x5FFFF;
	_ =	strace $0x90000046  }
0xb2: {  	s29 =	simm.s32 $0x9;
	_ =	strace $0x80000048  }
0xb3: {  	_ =	swait.ge [sflag:s29], $0x1  }
0xb4: {  	[sflag:s29] =	ssyncadd.s32 $0xFFFFFFFF  }
0xb5: {  	_ =	strace $0x90000048  }
0xb6: {  	_ =	sfence  }
0xb7: {  	s30 =	sld [smem:$0x0];
	_ =	sdelay $0x2  }
0xb8: {  	s31 =	sshll.u32 s1, $0xD;
	s1 =	sshrl.u32 s1, $0x2  }
0xb9: {  	s3 =	sand.u32 $0x4000, s31;
	s1 =	sadd.s32 s1, s30  }
0xba: {  	s0 =	sor.u32 s3, s0;
	s1 =	sshll.u32 s1, $0x11  }
0xbb: {  	s0 =	sor.u32 s1, s0  }
0xbc: {  	s0 =	sadd.s32 $0x8F2B, s0  }
0xbd: {  	[sflag:s0] =	ssyncadd.remote.s32 $0x1  }
0xbe: {  	_ =	sfence.sel $0xFFFF  }
0xbf: {  	[dreg:$0x0] =	wrdreg $0xFFFFFFFF;
	(pc) =	sbr.abs _section_cstart, $3  }
0xc0: {  	[dreg:$0x1] =	wrdreg $0xFFFFFFFF  }
0xc1: {  	_ =	task.clear_ibuf [dreg:s7], $0x2FFFF;
	_ =	strace $0x9FFFFFFF  }
0xc2: {  	(tm) =	ssettm $0x7FFFFFFF  }
0xc3: {  	_ =	shalt  }
tec
execute0_lowered:
.L_overlay_start_1:
0x0: {  	(tag) =	ssettag $0x1  }
0x1: {  	s1 =	srdreg.scid;
	s2 =	rddreg [dreg:$0x0]  }
0x2: {  	s0 =	stileid.u32;
	s6 =	rddreg [dreg:$0x1]  }
0x3: {  	s3 =	simm.s32 $0x0;
	s9 =	simm.s32 $0x680;
	s10 =	simm.s32 $0x1  }
0x4: {  	s11 =	simm.s32 $0x3;
	s12 =	simm.s32 $0x2;
	s13 =	simm.s32 $0x1F80  }
0x5: {  	s14 =	simm.s32 $0x80;
	s15 =	simm.s32 $0x400;
	s16 =	simm.s32 $0x4  }
0x6: {  	s17 =	simm.s32 $0x0;
	s4 =	sand.u32 $0x1, s1;
	s29 =	sshll.u32 s0, $0x1  }
0x7: {  	s30 =	sshrl.u32 s0, $0x2;
	s1 =	rddreg [dreg:$0x2];
	s5 =	sor.u32 s4, s29  }
0x8: {  	[smem:$0x7FF] =	sst s3;
	s7 =	smul.u32 $0x3400, s30;
	s8 =	sshll.u32 s5, $0x7  }
0x9: {  	s4 =	ssub.s32 $0x2, s4;
	s5 =	smul.u32 $0x190, s5;
	s8 =	sand.u32 $0x380, s8  }
0xa: {  	_ =	strace $0x80000047;
	s31 =	sshrl.u32 s4, $0x1;
	s7 =	sor.u32 s7, s8  }
0xb: {  	s5 =	sadd.s32 s5, s6;
	s8 =	simm.s32 $0x1300;
	s7 =	sshrl.u32 s7, $0x3  }
0xc: {  	s6 =	sadd.s32 s7, s6;
	s7 =	ssub.s32 s4, s31;
	s4 =	sadd.s32 $0x1A00, s5  }
0xd: {  	v0 =	vimm.s32 $0x0;
	s5 =	sadd.s32 $0x4C00, s5;
	s6 =	sadd.s32 $0x7E00, s6;
	s7 =	smax.u32 s7, $0x1  }
.LBB2_1:
0xe: {  	[tilespmem:s3], [sflag:$0x1] =	stream.linear.gather [hbm4b:s2+s3], $0x680, $0x38;
	[tilespmem:$0x2600] =	vst v63  }
0xf: {  	_ = 	snop  }
0x10: {  	[tilespmem:s8], [sflag:$0x3] =	stream.linear.gather [hbm4b:s4+s3], $0xC80, $0x38;
	[tilespmem:$0x2600] =	vst v63  }
0x11: {  	s18 =	simm.s32 $0x40;
	s19 =	simm.s32 $0x0  }
0x12: {  	[tilespmem:s9], [sflag:$0x2] =	stream.linear.gather [hbm4b:s5+s3], $0xC80, $0x38;
	[tilespmem:$0x2600] =	vst v63  }
.LBB2_2:
0x13: {  	p0 =	sne.s32 s18, $0x18C0;
	[tilespmem:s19+$0x1F80] =	vst v0;
	s19 =	smov.u32 s18;
	s18 =	sadd.s32 $0x40, s18  }
.Ltmp0:
0x14: {  	(pc) =	sbr.rel @p0 .LBB2_2-.Ltmp0, $2  }
0x15: {  	_ =	sdelay $0x2  }
0x16: {  	s19 =	sshra.s32 s19, $0x2  }
0x17: {  	[tilespmem:s19+$0x1F80] =	vst v0  }
0x18: {  	_ =	swait.ge [sflag:s10], $0x680  }
0x19: {  	[sflag:s10] =	ssyncset.done $0x0  }
0x1a: {  	[sflag:s10] =	ssyncadd.s32 $0xFFFFF980  }
0x1b: {  	_ =	swait.ge [sflag:s11], $0xC80  }
0x1c: {  	[sflag:s11] =	ssyncset.done $0x0  }
0x1d: {  	[sflag:s11] =	ssyncadd.s32 $0xFFFFF380  }
0x1e: {  	_ =	swait.ge [sflag:s12], $0xC80  }
0x1f: {  	[sflag:s12] =	ssyncset.done $0x0  }
0x20: {  	s18 =	simm.s32 $0x0;
	[sflag:s12] =	ssyncadd.s32 $0xFFFFF380  }
0x21: {  	v1 =	vld [tilespmem:s18+$0x1370]  }
0x22: {  	v3 =	vld [tilespmem:s18+$0x1340]  }
0x23: {  	v4 =	vld [tilespmem:s18+$0x1310]  }
0x24: {  	v2 =	vld [tilespmem:s18+$0x6F0]  }
0x25: {  	v5 =	vld [tilespmem:s18+$0x6E0]  }
0x26: {  	v6 =	vld [tilespmem:s18+$0x1330]  }
0x27: {  	v7 =	vld [tilespmem:s18+$0x6C0]  }
0x28: {  	v8 =	vld [tilespmem:s18+$0x6A0]  }
0x29: {  	v9 =	vld [tilespmem:s18+$0x6B0]  }
0x2a: {  	v10 =	vld [tilespmem:s18+$0x690]  }
0x2b: {  	v11 =	vld [tilespmem:s18+$0x680]  }
0x2c: {  	v12 =	vld [tilespmem:s18+$0x1300]  }
0x2d: {  	v13 =	vld [tilespmem:s18+$0x1360]  }
0x2e: {  	v14 =	vld [tilespmem:s18+$0x6D0]  }
0x2f: {  	v15 =	vld [tilespmem:s18+$0x1320]  }
0x30: {  	v16 =	vld [tilespmem:s18+$0x1350]  }
0x31: {  	v8 =	vld.idx.msk [tilespmem:v8+s3+$0x0], $0xffff  }
0x32: {  	v9 =	vld.idx.msk [tilespmem:v9+s3+$0x0], $0xffff  }
0x33: {  	v10 =	vld.idx.msk [tilespmem:v10+s3+$0x0], $0xffff  }
0x34: {  	v11 =	vld.idx.msk [tilespmem:v11+s3+$0x0], $0xffff  }
0x35: {  	v5 =	vld.idx.msk [tilespmem:v5+s3+$0x0], $0xffff  }
0x36: {  	v7 =	vld.idx.msk [tilespmem:v7+s3+$0x0], $0xffff  }
0x37: {  	v14 =	vld.idx.msk [tilespmem:v14+s3+$0x0], $0xffff  }
0x38: {  	v2 =	vld.idx.msk [tilespmem:v2+s3+$0x0], $0xffff  }
0x39: {  	[tilespmem:v12+s13+$0x0] =	vst.idx.add.s32.msk $0xffff, v11  }
0x3a: {  	[tilespmem:v4+s13+$0x0] =	vst.idx.add.s32.msk $0xffff, v10  }
0x3b: {  	[tilespmem:v15+s13+$0x0] =	vst.idx.add.s32.msk $0xffff, v8  }
0x3c: {  	[tilespmem:v6+s13+$0x0] =	vst.idx.add.s32.msk $0xffff, v9  }
0x3d: {  	[tilespmem:v3+s13+$0x0] =	vst.idx.add.s32.msk $0xffff, v7  }
0x3e: {  	[tilespmem:v16+s13+$0x0] =	vst.idx.add.s32.msk $0xffff, v14  }
0x3f: {  	s18 =	simm.s32 $0x200;
	[tilespmem:v13+s13+$0x0] =	vst.idx.add.s32.msk $0xffff, v5  }
.LBB2_4:
0x40: {  	s19 =	sshra.s32 s18, $0x2;
	p0 =	sne.s32 s18, $0x3000;
	s18 =	sadd.s32 $0x200, s18;
	[tilespmem:v1+s13+$0x0] =	vst.idx.add.s32.msk $0xffff, v2  }
0x41: {  	v1 =	vld [tilespmem:s19+$0x1370]  }
0x42: {  	v3 =	vld [tilespmem:s19+$0x1340]  }
0x43: {  	v4 =	vld [tilespmem:s19+$0x1310]  }
0x44: {  	v2 =	vld [tilespmem:s19+$0x6F0]  }
0x45: {  	v5 =	vld [tilespmem:s19+$0x6E0]  }
0x46: {  	v6 =	vld [tilespmem:s19+$0x1330]  }
0x47: {  	v7 =	vld [tilespmem:s19+$0x6C0]  }
0x48: {  	v8 =	vld [tilespmem:s19+$0x6A0]  }
0x49: {  	v9 =	vld [tilespmem:s19+$0x6B0]  }
0x4a: {  	v10 =	vld [tilespmem:s19+$0x690]  }
0x4b: {  	v11 =	vld [tilespmem:s19+$0x680]  }
0x4c: {  	v12 =	vld [tilespmem:s19+$0x1300]  }
0x4d: {  	v13 =	vld [tilespmem:s19+$0x1360]  }
0x4e: {  	v14 =	vld [tilespmem:s19+$0x6D0]  }
0x4f: {  	v15 =	vld [tilespmem:s19+$0x1320]  }
0x50: {  	v8 =	vld.idx.msk [tilespmem:v8+s3+$0x0], $0xffff  }
0x51: {  	v9 =	vld.idx.msk [tilespmem:v9+s3+$0x0], $0xffff  }
0x52: {  	v10 =	vld.idx.msk [tilespmem:v10+s3+$0x0], $0xffff  }
0x53: {  	v11 =	vld.idx.msk [tilespmem:v11+s3+$0x0], $0xffff  }
0x54: {  	v5 =	vld.idx.msk [tilespmem:v5+s3+$0x0], $0xffff  }
0x55: {  	v16 =	vld [tilespmem:s19+$0x1350]  }
0x56: {  	v7 =	vld.idx.msk [tilespmem:v7+s3+$0x0], $0xffff  }
0x57: {  	v14 =	vld.idx.msk [tilespmem:v14+s3+$0x0], $0xffff  }
0x58: {  	v2 =	vld.idx.msk [tilespmem:v2+s3+$0x0], $0xffff  }
0x59: {  	[tilespmem:v12+s13+$0x0] =	vst.idx.add.s32.msk $0xffff, v11  }
0x5a: {  	[tilespmem:v4+s13+$0x0] =	vst.idx.add.s32.msk $0xffff, v10  }
.Ltmp1:
0x5b: {  	[tilespmem:v15+s13+$0x0] =	vst.idx.add.s32.msk $0xffff, v8;
	(pc) =	sbr.rel @p0 .LBB2_4-.Ltmp1, $4  }
0x5c: {  	[tilespmem:v6+s13+$0x0] =	vst.idx.add.s32.msk $0xffff, v9  }
0x5d: {  	[tilespmem:v3+s13+$0x0] =	vst.idx.add.s32.msk $0xffff, v7  }
0x5e: {  	[tilespmem:v16+s13+$0x0] =	vst.idx.add.s32.msk $0xffff, v14  }
0x5f: {  	[tilespmem:v13+s13+$0x0] =	vst.idx.add.s32.msk $0xffff, v5  }
0x60: {  	_ =	sdelay $0x1  }
0x61: {  	s17 =	sadd.s32 $0x1, s17  }
0x62: {  	p0 =	sne.s32 s17, s7  }
.Ltmp2:
0x63: {  	[tilespmem:v1+s13+$0x0] =	vst.idx.add.s32.msk $0xffff, v2;
	(pc) =	sbr.rel @p0 .LBB2_1-.Ltmp2, $4  }
0x64: {  	[hbm4b:s6+s14] =	stream.strided.scatter [tilespmem:s13], [sflag:$0x4], $0x680, s15, s14, $0x38;
	[tilespmem:$0x2600] =	vst v63  }
0x65: {  	_ =	swait.ge [sflag:s16], $0x680  }
0x66: {  	[sflag:s16] =	ssyncset.done $0x0  }
0x67: {  	[sflag:s16] =	ssyncadd.s32 $0xFFFFF980  }
0x68: {  	_ =	sfence.sel $0x180000  }
0x69: {  	[bflag:$0x0] =	sbarrier.arrive $0xFFFF  }
0x6a: {  	p0 =	sne.s32 s0, $0x0;
	_ =	strace $0x90000047  }
0x6b: {  	s0 =	sadd.s32 @!p0 $0x100000, s1;
	[bflag:$0x2] =	sbarrier.arrive $0xFFFF  }
0x6c: {  	[sflag:s0] =	ssyncadd.tile.s32 @!p0 $0x1;
	_ =	shalt  }
.Lfunc_end2:
_tile_overlayer_lowered:
.L_overlay_start_2:
0x6d: {  	(tag) =	ssettag $0x2  }
0x6e: {  	s0 =	rddreg [dreg:$0x0];
	s2 =	stileid.u32  }
0x6f: {  	s1 =	rddreg [dreg:$0x1];
	p0 =	sne.s32 s2, $0x0  }
0x70: {  	s3 =	rddreg [dreg:$0x2];
	[bflag:$0x3] =	sbarrier.arrive $0xFFFF;
	s2 =	simm.s32 @!p0 $0x1C04  }
0x71: {  	[timem:s3], [sflag:s2] =	dma.local @!p0 [hbm:s0], s1  }
0x72: {  	s0 =	simm.s32 @!p0 $0x4  }
0x73: {  	_ =	swait.ge @!p0 [sflag:s0], s1  }
0x74: {  	s1 =	ssub.s32 @!p0 $0x0, s1;
	[sflag:s0] =	ssyncset.done @!p0 $0x0  }
0x75: {  	[sflag:s0] =	ssyncadd.s32 @!p0 s1  }
0x76: {  	[bflag:$0x3] =	sbarrier.arrive $0xFFFF  }
0x77: {  	_ =	shalt  }

</sc_bundles>
